<compile_context>
chip_gen: v7x
topology: tpu7x:2x2x1
jax: 0.10.2.dev20260603
libtpu: 0.0.44.dev20260713+nightly
codegen_flags: <defaults>
</compile_context>

<pallas_src>
import functools

import jax
import jax.numpy as jnp
from jax import lax
from jax.experimental import pallas as pl
from jax.experimental.pallas import tpu as pltpu
from jax.experimental.pallas import tpu_sc as plsc

N_NODES = 10000
N_EDGES = 320000
IN_F = 128
H = 64
NC = 2
NS = 16
NW = NC * NS
EPW = N_EDGES // NW
BLK = 128
NFULL = EPW // BLK
REM = EPW - NFULL * BLK
NPAD = 10240
RPT = NPAD // NS
ZR = 128
DEG_W = 16

_mesh = plsc.VectorSubcoreMesh(core_axis_name="c", subcore_axis_name="s")


@functools.partial(
    pl.kernel,
    mesh=_mesh,
    out_type=jax.ShapeDtypeStruct((NC, NPAD, DEG_W), jnp.float32),
    scratch_types=[
        pltpu.VMEM((BLK,), jnp.int32),
        pltpu.VMEM((REM,), jnp.int32),
        pltpu.VMEM((BLK, DEG_W), jnp.float32),
        pltpu.VMEM((RPT, DEG_W), jnp.float32),
        pltpu.VMEM_SHARED((NPAD, DEG_W), jnp.float32),
        pltpu.SemaphoreType.DMA,
    ],
    compiler_params=pltpu.CompilerParams(use_tc_tiling_on_sc=False),
)
def _deg_kernel(dst_hbm, out_hbm, dst_v, dst_t, ones_v, zbuf, deg_s, sem):
    del sem
    cid = lax.axis_index("c")
    sid = lax.axis_index("s")
    wid = cid * NS + sid

    lane = lax.iota(jnp.int32, 16)
    one_row = jnp.where(lane == 0, 1.0, 0.0).astype(jnp.float32)
    zero_row = jnp.zeros((16,), jnp.float32)

    def fill(i, _):
        ones_v[i, :] = one_row
        return 0

    lax.fori_loop(0, BLK, fill, 0)

    def zfill(i, _):
        zbuf[i, :] = zero_row
        return 0

    lax.fori_loop(0, RPT, zfill, 0)
    pltpu.sync_copy(zbuf, deg_s.at[pl.ds(sid * RPT, RPT)])
    plsc.subcore_barrier()

    base = wid * EPW

    def body(j, _):
        off = pl.multiple_of(base + j * BLK, 8)
        pltpu.sync_copy(dst_hbm.at[pl.ds(off, BLK)], dst_v)
        pltpu.sync_copy(ones_v, deg_s.at[dst_v], add=True)
        return 0

    lax.fori_loop(0, NFULL, body, 0)
    off = pl.multiple_of(base + NFULL * BLK, 8)
    pltpu.sync_copy(dst_hbm.at[pl.ds(off, REM)], dst_t)
    pltpu.sync_copy(ones_v.at[pl.ds(0, REM)], deg_s.at[dst_t], add=True)
    plsc.subcore_barrier()
    pltpu.sync_copy(deg_s.at[pl.ds(sid * RPT, RPT)],
                    out_hbm.at[cid, pl.ds(sid * RPT, RPT)])


@functools.partial(
    pl.kernel,
    mesh=_mesh,
    out_type=jax.ShapeDtypeStruct((NC, NPAD, H), jnp.float32),
    scratch_types=[
        pltpu.VMEM((BLK,), jnp.int32),
        pltpu.VMEM((BLK,), jnp.int32),
        pltpu.VMEM((REM,), jnp.int32),
        pltpu.VMEM((REM,), jnp.int32),
        pltpu.VMEM((BLK, H), jnp.float32),
        pltpu.VMEM((REM, H), jnp.float32),
        pltpu.VMEM((ZR, H), jnp.float32),
        pltpu.VMEM_SHARED((NPAD, H), jnp.float32),
        pltpu.SemaphoreType.DMA,
    ],
    compiler_params=pltpu.CompilerParams(use_tc_tiling_on_sc=False),
)
def _prop_kernel(hh_hbm, src_hbm, dst_hbm, out_hbm,
                 src_v, dst_v, src_t, dst_t, rows, rows_t, zbuf, agg_s, sem):
    cid = lax.axis_index("c")
    sid = lax.axis_index("s")
    wid = cid * NS + sid

    zero_row = jnp.zeros((16,), jnp.float32)

    def zfill(i, _):
        r = i // (H // 16)
        c = i % (H // 16)
        zbuf[r, pl.ds(c * 16, 16)] = zero_row
        return 0

    lax.fori_loop(0, ZR * (H // 16), zfill, 0)

    def zcp(j, _):
        pltpu.sync_copy(zbuf, agg_s.at[pl.ds(sid * RPT + j * ZR, ZR)])
        return 0

    lax.fori_loop(0, RPT // ZR, zcp, 0)
    plsc.subcore_barrier()

    base = wid * EPW

    def body(j, _):
        off = pl.multiple_of(base + j * BLK, 8)
        pltpu.sync_copy(src_hbm.at[pl.ds(off, BLK)], src_v)
        pltpu.async_copy(hh_hbm.at[src_v], rows, sem).wait()
        pltpu.sync_copy(dst_hbm.at[pl.ds(off, BLK)], dst_v)
        pltpu.sync_copy(rows, agg_s.at[dst_v], add=True)
        return 0

    lax.fori_loop(0, NFULL, body, 0)
    off = pl.multiple_of(base + NFULL * BLK, 8)
    pltpu.sync_copy(src_hbm.at[pl.ds(off, REM)], src_t)
    pltpu.async_copy(hh_hbm.at[src_t], rows_t, sem).wait()
    pltpu.sync_copy(dst_hbm.at[pl.ds(off, REM)], dst_t)
    pltpu.sync_copy(rows_t, agg_s.at[dst_t], add=True)
    plsc.subcore_barrier()
    pltpu.sync_copy(agg_s.at[pl.ds(sid * RPT, RPT)],
                    out_hbm.at[cid, pl.ds(sid * RPT, RPT)])


BM = 400


def _tc1_body(x_ref, w_ref, b_ref, d_ref, f0_ref, hh_ref, dinv_ref):
    f0 = jnp.dot(x_ref[...], w_ref[...], preferred_element_type=jnp.float32)
    f0 = jnp.maximum(f0 + b_ref[...], 0.0)
    deg = d_ref[0, :, :1] + d_ref[1, :, :1]
    dinv = lax.rsqrt(jnp.maximum(deg, 1.0))
    f0_ref[...] = f0
    hh_ref[...] = f0 * dinv
    dinv_ref[...] = dinv


def _tc2_body(f0_ref, a_ref, dinv_ref, p1_ref, hh1_ref):
    dinv = dinv_ref[...]
    p1 = f0_ref[...] - (a_ref[0] + a_ref[1]) * dinv
    p1_ref[...] = p1
    hh1_ref[...] = p1 * dinv


def _tc3_body(f0_ref, p1_ref, a_ref, dinv_ref, aw_ref, b2_ref, out_ref):
    p2 = p1_ref[...] - (a_ref[0] + a_ref[1]) * dinv_ref[...]
    acc = jnp.dot(f0_ref[...], aw_ref[0:H, :],
                  preferred_element_type=jnp.float32)
    acc = acc + jnp.dot(p1_ref[...], aw_ref[H:2 * H, :],
                        preferred_element_type=jnp.float32)
    acc = acc + jnp.dot(p2, aw_ref[2 * H:3 * H, :],
                        preferred_element_type=jnp.float32)
    out_ref[...] = acc + b2_ref[...]


def kernel(features, edge_index, W1, b1, W2, b2):
    src = edge_index[0]
    dst = edge_index[1]

    w0, w1_, w2_ = W2[:, :H], W2[:, H:2 * H], W2[:, 2 * H:]
    a0 = 3.0 * w0
    a1 = -3.0 * w0 + 3.0 * w1_
    a2 = 0.75 * w0 - 1.5 * w1_ + 0.75 * w2_
    aw = jnp.concatenate([a0.T, a1.T, a2.T], axis=0)

    degp = _deg_kernel(dst)

    grid = N_NODES // BM
    f0, hh0, dinv = pl.pallas_call(
        _tc1_body,
        grid=(grid,),
        in_specs=[
            pl.BlockSpec((BM, IN_F), lambda i: (i, 0)),
            pl.BlockSpec((IN_F, H), lambda i: (0, 0)),
            pl.BlockSpec((1, H), lambda i: (0, 0)),
            pl.BlockSpec((NC, BM, DEG_W), lambda i: (0, i, 0)),
        ],
        out_specs=[
            pl.BlockSpec((BM, H), lambda i: (i, 0)),
            pl.BlockSpec((BM, H), lambda i: (i, 0)),
            pl.BlockSpec((BM, 1), lambda i: (i, 0)),
        ],
        out_shape=[
            jax.ShapeDtypeStruct((N_NODES, H), jnp.float32),
            jax.ShapeDtypeStruct((N_NODES, H), jnp.float32),
            jax.ShapeDtypeStruct((N_NODES, 1), jnp.float32),
        ],
    )(features, W1.T, b1.reshape(1, H), degp)

    aggp1 = _prop_kernel(hh0, src, dst)

    p1, hh1 = pl.pallas_call(
        _tc2_body,
        grid=(grid,),
        in_specs=[
            pl.BlockSpec((BM, H), lambda i: (i, 0)),
            pl.BlockSpec((NC, BM, H), lambda i: (0, i, 0)),
            pl.BlockSpec((BM, 1), lambda i: (i, 0)),
        ],
        out_specs=[
            pl.BlockSpec((BM, H), lambda i: (i, 0)),
            pl.BlockSpec((BM, H), lambda i: (i, 0)),
        ],
        out_shape=[
            jax.ShapeDtypeStruct((N_NODES, H), jnp.float32),
            jax.ShapeDtypeStruct((N_NODES, H), jnp.float32),
        ],
    )(f0, aggp1, dinv)

    aggp2 = _prop_kernel(hh1, src, dst)

    out = pl.pallas_call(
        _tc3_body,
        grid=(grid,),
        in_specs=[
            pl.BlockSpec((BM, H), lambda i: (i, 0)),
            pl.BlockSpec((BM, H), lambda i: (i, 0)),
            pl.BlockSpec((NC, BM, H), lambda i: (0, i, 0)),
            pl.BlockSpec((BM, 1), lambda i: (i, 0)),
            pl.BlockSpec((3 * H, H), lambda i: (0, 0)),
            pl.BlockSpec((1, H), lambda i: (0, 0)),
        ],
        out_specs=pl.BlockSpec((BM, H), lambda i: (i, 0)),
        out_shape=jax.ShapeDtypeStruct((N_NODES, H), jnp.float32),
    )(f0, p1, aggp2, dinv, aw, b2.reshape(1, H))

    return out

# --- scband reference (transcript-rebuilt; emitter-appended) ---
"""Pipeline reference for scband-decoder-1245540516298 (READ-ONLY COPY).

The authoritative reference and input builder live on the scoring server;
editing this copy changes nothing except your own understanding.
"""

import jax, jax.numpy as jnp
import numpy as np

# Precomputed Bernstein-basis polynomial coefficients (calculate_theta2 with d=2):
# theta_i[k] multiplies L^k where L is the normalized Laplacian recursion.
THETAS = [[3.0, -3.0, 0.75], [0.0, 3.0, -1.5], [0.0, 0.0, 0.75]]

N_NODES = 10000
N_EDGES = 320000
IN_FEATS = 128
H_FEATS = 64


def setup_inputs(seed: int = 0) -> dict:
    key = jax.random.key(seed)
    k1, k2, k3, k4, k5 = jax.random.split(key, 5)
    features = jax.random.normal(k1, (N_NODES, IN_FEATS), dtype=jnp.float32)
    edge_index = jax.random.randint(k2, (2, N_EDGES), 0, N_NODES, dtype=jnp.int32)
    W1 = jax.random.normal(k3, (H_FEATS, IN_FEATS), dtype=jnp.float32) * 0.05
    b1 = jnp.zeros((H_FEATS,), dtype=jnp.float32)
    W2 = jax.random.normal(k4, (H_FEATS, H_FEATS * len(THETAS)), dtype=jnp.float32) * 0.05
    b2 = jnp.zeros((H_FEATS,), dtype=jnp.float32)
    return {"features": features, "edge_index": edge_index, "W1": W1, "b1": b1, "W2": W2, "b2": b2}


def reference(features, edge_index, W1, b1, W2, b2):
    N = features.shape[0]
    src = edge_index[0]
    dst = edge_index[1]
    # in-degrees (DGL copy_u + sum aggregates over in-edges of dst)
    deg = jnp.zeros((N,), dtype=jnp.float32).at[dst].add(1.0)
    d_invsqrt = jnp.power(jnp.clip(deg, 1.0, None), -0.5)[:, None]

    # linear1 + ReLU
    feat0 = jax.nn.relu(features @ W1.T + b1)

    outs = []
    for theta in THETAS:
        feat = feat0
        h = theta[0] * feat
        for k in range(1, len(theta)):
            # unnLaplacian: feat - D^{-1/2} A D^{-1/2} feat
            hh = feat * d_invsqrt
            agg = jnp.zeros_like(hh).at[dst].add(hh[src])
            feat = feat - agg * d_invsqrt
            h = h + theta[k] * feat
        outs.append(h)

    features_final = jnp.concatenate(outs, axis=-1)
    out = features_final @ W2.T + b2
    return out

if __name__ == "__main__":
    import jax
    _d = setup_inputs()
    print(jax.jit(kernel)(*tuple(_d.values())))

</pallas_src>

<mosaic_0001>
#map = affine_map<(d0, d1) -> (0)>
#map1 = affine_map<(d0, d1) -> (0, 0, 0)>
module attributes {stable_mosaic.version = 14 : i64} {
  func.func @_deg_kernel(%arg0: i32, %arg1: i32, %arg2: memref<320000xi32, #tpu.memory_space<hbm>>, %arg3: memref<2x10240x16xf32, #tpu.memory_space<hbm>>, %arg4: memref<128xi32, #tpu.memory_space<vmem>>, %arg5: memref<16xi32, #tpu.memory_space<vmem>>, %arg6: memref<128x16xf32, #tpu.memory_space<vmem>>, %arg7: memref<640x16xf32, #tpu.memory_space<vmem>>, %arg8: memref<10240x16xf32, #tpu.memory_space<vmem_shared>>, %arg9: memref<!tpu.dma_semaphore, #tpu.memory_space<semaphore_mem>>) attributes {dimension_semantics = [#tpu.dimension_semantics<core_parallel>, #tpu.dimension_semantics<subcore_parallel>], iteration_bounds = array<i64: 2, 16>, scalar_prefetch = 0 : i64, scratch_operands = 6 : i64, tpu.core_type = #tpu.core_type<sc_vector_subcore>, window_params = [{transform_indices = #map}, {transform_indices = #map1}]} {
    %mul3A = arith.constant 16 : i32
    %mul3A_0 = arith.muli %arg0, %mul3A : i32
    %add3A = arith.addi %mul3A_0, %arg1 : i32
    %iota3A = tpu.iota {dimensions = array<i32: 0>} : vector<16xi32>
    %eq3A = arith.constant 0 : i32
    %eq3A_1 = vector.broadcast %eq3A : i32 to vector<16xi32>
    %eq3A_2 = arith.cmpi eq, %iota3A, %eq3A_1 : vector<16xi32>
    %jit3A = arith.constant 1.000000e+00 : f32
    %jit3A_3 = arith.constant 0.000000e+00 : f32
    %broadcast_in_dim3A = vector.broadcast %jit3A : f32 to vector<16xf32>
    %broadcast_in_dim3A_4 = vector.broadcast %jit3A_3 : f32 to vector<16xf32>
    %select_n3A = arith.select %eq3A_2, %broadcast_in_dim3A, %broadcast_in_dim3A_4 : vector<16xi1>, vector<16xf32>
    %broadcast_in_dim3A_5 = arith.constant 0.000000e+00 : f32
    %broadcast_in_dim3A_6 = vector.broadcast %broadcast_in_dim3A_5 : f32 to vector<16xf32>
    %scan3A = arith.constant 0 : i32
    %scan3A_7 = arith.constant 0 : i32
    %scan3A_8 = arith.constant 128 : i32
    %scan3A_9 = arith.addi %scan3A_7, %scan3A_8 : i32
    %scan3A_10 = arith.constant 1 : i32
    %scan3A_11 = scf.for %scan3A_38 = %scan3A_7 to %scan3A_9 step %scan3A_10 iter_args(%scan3A_39 = %scan3A) -> (i32)  : i32 {
      %swap3A = arith.index_cast %scan3A_38 : i32 to index
      %swap3A_40 = arith.constant 0 : index
      %swap3A_41 = tpu.vector_load %arg6[%swap3A, %swap3A_40] {strides = array<i32>} : memref<128x16xf32, #tpu.memory_space<vmem>>, vector<1x16xf32>,
      %swap3A_42 = vector.shape_cast %swap3A_41 : vector<1x16xf32> to vector<16xf32>
      %swap3A_43 = vector.shape_cast %select_n3A : vector<16xf32> to vector<1x16xf32>
      tpu.vector_store %arg6[%swap3A, %swap3A_40], %swap3A_43 {strides = array<i32>} : memref<128x16xf32, #tpu.memory_space<vmem>>, vector<1x16xf32>,
      %scan3A_44 = arith.constant 0 : i32
      scf.yield %scan3A_44 : i32
    }
    %scan3A_12 = arith.constant 128 : i32
    %scan3A_13 = arith.constant 0 : i32
    %scan3A_14 = arith.constant 0 : i32
    %scan3A_15 = arith.constant 640 : i32
    %scan3A_16 = arith.addi %scan3A_14, %scan3A_15 : i32
    %scan3A_17 = arith.constant 1 : i32
    %scan3A_18 = scf.for %scan3A_38 = %scan3A_14 to %scan3A_16 step %scan3A_17 iter_args(%scan3A_39 = %scan3A_13) -> (i32)  : i32 {
      %swap3A = arith.index_cast %scan3A_38 : i32 to index
      %swap3A_40 = arith.constant 0 : index
      %swap3A_41 = tpu.vector_load %arg7[%swap3A, %swap3A_40] {strides = array<i32>} : memref<640x16xf32, #tpu.memory_space<vmem>>, vector<1x16xf32>,
      %swap3A_42 = vector.shape_cast %swap3A_41 : vector<1x16xf32> to vector<16xf32>
      %swap3A_43 = vector.shape_cast %broadcast_in_dim3A_6 : vector<16xf32> to vector<1x16xf32>
      tpu.vector_store %arg7[%swap3A, %swap3A_40], %swap3A_43 {strides = array<i32>} : memref<640x16xf32, #tpu.memory_space<vmem>>, vector<1x16xf32>,
      %scan3A_44 = arith.constant 0 : i32
      scf.yield %scan3A_44 : i32
    }
    %scan3A_19 = arith.constant 640 : i32
    %mul3A_20 = arith.constant 640 : i32
    %mul3A_21 = arith.muli %arg1, %mul3A_20 : i32
    "tpu.region"() ({
      %run_scoped3A = tpu.sem_alloc : memref<!tpu.dma_semaphore, #tpu.memory_space<semaphore_mem>>
      %dma_start3A = arith.constant 0 : i32
      %dma_start3A_38 = tpu.memref_slice %arg8[%mul3A_21, %dma_start3A] : memref<10240x16xf32, #tpu.memory_space<vmem_shared>> -> memref<640x16xf32, #tpu.memory_space<vmem_shared>>
      %dma_start3A_39 = arith.constant 0 : i32
      %dma_start3A_40 = tpu.memref_slice %arg8[%mul3A_21, %dma_start3A_39] : memref<10240x16xf32, #tpu.memory_space<vmem_shared>> -> memref<640x16xf32, #tpu.memory_space<vmem_shared>>
      tpu.enqueue_dma source(%arg7 : memref<640x16xf32, #tpu.memory_space<vmem>>) target(%dma_start3A_40 : memref<640x16xf32, #tpu.memory_space<vmem_shared>>) target_semaphore(%run_scoped3A : memref<!tpu.dma_semaphore, #tpu.memory_space<semaphore_mem>>)
      %dma_wait3A = arith.constant 0 : i32
      %dma_wait3A_41 = tpu.memref_slice %arg8[%mul3A_21, %dma_wait3A] : memref<10240x16xf32, #tpu.memory_space<vmem_shared>> -> memref<640x16xf32, #tpu.memory_space<vmem_shared>>
      %dma_wait3A_42 = arith.constant 0 : i32
      %dma_wait3A_43 = tpu.memref_slice %arg8[%mul3A_21, %dma_wait3A_42] : memref<10240x16xf32, #tpu.memory_space<vmem_shared>> -> memref<640x16xf32, #tpu.memory_space<vmem_shared>>
      tpu.wait_dma2 semaphore(%run_scoped3A : memref<!tpu.dma_semaphore, #tpu.memory_space<semaphore_mem>>) src(%arg7 : memref<640x16xf32, #tpu.memory_space<vmem>>) dst(%dma_wait3A_43 : memref<640x16xf32, #tpu.memory_space<vmem_shared>>)
      tpu.yield
    }) : () -> ()
    %barrier3A = arith.constant 0 : index
    tpu.barrier barrier_id(%barrier3A)
    %mul3A_22 = arith.constant 10000 : i32
    %mul3A_23 = arith.muli %add3A, %mul3A_22 : i32
    %scan3A_24 = arith.constant 0 : i32
    %scan3A_25 = arith.constant 0 : i32
    %scan3A_26 = arith.constant 78 : i32
    %scan3A_27 = arith.addi %scan3A_25, %scan3A_26 : i32
    %scan3A_28 = arith.constant 1 : i32
    %scan3A_29 = scf.for %scan3A_38 = %scan3A_25 to %scan3A_27 step %scan3A_28 iter_args(%scan3A_39 = %scan3A_24) -> (i32)  : i32 {
      %mul3A_40 = arith.constant 128 : i32
      %mul3A_41 = arith.muli %scan3A_38, %mul3A_40 : i32
      %add3A_42 = arith.addi %mul3A_23, %mul3A_41 : i32
      %multiple_of3A_43 = tpu.assume_multiple %add3A_42, 8 : i32
      "tpu.region"() ({
        %run_scoped3A = tpu.sem_alloc : memref<!tpu.dma_semaphore, #tpu.memory_space<semaphore_mem>>
        %dma_start3A = tpu.memref_slice %arg2[%multiple_of3A_43] : memref<320000xi32, #tpu.memory_space<hbm>> -> memref<128xi32, #tpu.memory_space<hbm>>
        %dma_start3A_45 = tpu.memref_slice %arg2[%multiple_of3A_43] : memref<320000xi32, #tpu.memory_space<hbm>> -> memref<128xi32, #tpu.memory_space<hbm>>
        tpu.enqueue_dma source(%dma_start3A_45 : memref<128xi32, #tpu.memory_space<hbm>>) target(%arg4 : memref<128xi32, #tpu.memory_space<vmem>>) target_semaphore(%run_scoped3A : memref<!tpu.dma_semaphore, #tpu.memory_space<semaphore_mem>>)
        %dma_wait3A = tpu.memref_slice %arg2[%multiple_of3A_43] : memref<320000xi32, #tpu.memory_space<hbm>> -> memref<128xi32, #tpu.memory_space<hbm>>
        %dma_wait3A_46 = tpu.memref_slice %arg2[%multiple_of3A_43] : memref<320000xi32, #tpu.memory_space<hbm>> -> memref<128xi32, #tpu.memory_space<hbm>>
        tpu.wait_dma2 semaphore(%run_scoped3A : memref<!tpu.dma_semaphore, #tpu.memory_space<semaphore_mem>>) src(%dma_wait3A_46 : memref<128xi32, #tpu.memory_space<hbm>>) dst(%arg4 : memref<128xi32, #tpu.memory_space<vmem>>)
        tpu.yield
      }) : () -> ()
      "tpu.region"() ({
        %run_scoped3A = tpu.sem_alloc : memref<!tpu.dma_semaphore, #tpu.memory_space<semaphore_mem>>
        %dma_start3A = arith.constant 0 : i32
        %dma_start3A_45 = arith.constant 0 : i32
        %dma_start3A_46 = tpu.memref_slice %arg8[%dma_start3A, %dma_start3A_45] : memref<10240x16xf32, #tpu.memory_space<vmem_shared>> -> memref<10240x16xf32, #tpu.memory_space<vmem_shared>>
        tpu.enqueue_indirect_dma source(%arg6 : memref<128x16xf32, #tpu.memory_space<vmem>>) target(%dma_start3A_46 : memref<10240x16xf32, #tpu.memory_space<vmem_shared>>) offsets(%arg4 : memref<128xi32, #tpu.memory_space<vmem>>) semaphore(%run_scoped3A : memref<!tpu.dma_semaphore, #tpu.memory_space<semaphore_mem>>) {add = true}
        %dma_wait3A = arith.constant 0 : i32
        %dma_wait3A_47 = arith.constant 0 : i32
        %dma_wait3A_48 = tpu.memref_slice %arg8[%dma_wait3A, %dma_wait3A_47] : memref<10240x16xf32, #tpu.memory_space<vmem_shared>> -> memref<10240x16xf32, #tpu.memory_space<vmem_shared>>
        tpu.wait_indirect_dma semaphore(%run_scoped3A : memref<!tpu.dma_semaphore, #tpu.memory_space<semaphore_mem>>) src(%arg6 : memref<128x16xf32, #tpu.memory_space<vmem>>) dst(%dma_wait3A_48 : memref<10240x16xf32, #tpu.memory_space<vmem_shared>>)
        tpu.yield
      }) : () -> ()
      %scan3A_44 = arith.constant 0 : i32
      scf.yield %scan3A_44 : i32
    }
    %scan3A_30 = arith.constant 78 : i32
    %add3A_31 = arith.constant 9984 : i32
    %add3A_32 = arith.addi %mul3A_23, %add3A_31 : i32
    %multiple_of3A = tpu.assume_multiple %add3A_32, 8 : i32
    "tpu.region"() ({
      %run_scoped3A = tpu.sem_alloc : memref<!tpu.dma_semaphore, #tpu.memory_space<semaphore_mem>>
      %dma_start3A = tpu.memref_slice %arg2[%multiple_of3A] : memref<320000xi32, #tpu.memory_space<hbm>> -> memref<16xi32, #tpu.memory_space<hbm>>
      %dma_start3A_38 = tpu.memref_slice %arg2[%multiple_of3A] : memref<320000xi32, #tpu.memory_space<hbm>> -> memref<16xi32, #tpu.memory_space<hbm>>
      tpu.enqueue_dma source(%dma_start3A_38 : memref<16xi32, #tpu.memory_space<hbm>>) target(%arg5 : memref<16xi32, #tpu.memory_space<vmem>>) target_semaphore(%run_scoped3A : memref<!tpu.dma_semaphore, #tpu.memory_space<semaphore_mem>>)
      %dma_wait3A = tpu.memref_slice %arg2[%multiple_of3A] : memref<320000xi32, #tpu.memory_space<hbm>> -> memref<16xi32, #tpu.memory_space<hbm>>
      %dma_wait3A_39 = tpu.memref_slice %arg2[%multiple_of3A] : memref<320000xi32, #tpu.memory_space<hbm>> -> memref<16xi32, #tpu.memory_space<hbm>>
      tpu.wait_dma2 semaphore(%run_scoped3A : memref<!tpu.dma_semaphore, #tpu.memory_space<semaphore_mem>>) src(%dma_wait3A_39 : memref<16xi32, #tpu.memory_space<hbm>>) dst(%arg5 : memref<16xi32, #tpu.memory_space<vmem>>)
      tpu.yield
    }) : () -> ()
    "tpu.region"() ({
      %run_scoped3A = tpu.sem_alloc : memref<!tpu.dma_semaphore, #tpu.memory_space<semaphore_mem>>
      %dma_start3A = arith.constant 0 : i32
      %dma_start3A_38 = arith.constant 0 : i32
      %dma_start3A_39 = tpu.memref_slice %arg6[%dma_start3A, %dma_start3A_38] : memref<128x16xf32, #tpu.memory_space<vmem>> -> memref<16x16xf32, #tpu.memory_space<vmem>>
      %dma_start3A_40 = arith.constant 0 : i32
      %dma_start3A_41 = arith.constant 0 : i32
      %dma_start3A_42 = tpu.memref_slice %arg8[%dma_start3A_40, %dma_start3A_41] : memref<10240x16xf32, #tpu.memory_space<vmem_shared>> -> memref<10240x16xf32, #tpu.memory_space<vmem_shared>>
      tpu.enqueue_indirect_dma source(%dma_start3A_39 : memref<16x16xf32, #tpu.memory_space<vmem>>) target(%dma_start3A_42 : memref<10240x16xf32, #tpu.memory_space<vmem_shared>>) offsets(%arg5 : memref<16xi32, #tpu.memory_space<vmem>>) semaphore(%run_scoped3A : memref<!tpu.dma_semaphore, #tpu.memory_space<semaphore_mem>>) {add = true}
      %dma_wait3A = arith.constant 0 : i32
      %dma_wait3A_43 = arith.constant 0 : i32
      %dma_wait3A_44 = tpu.memref_slice %arg6[%dma_wait3A, %dma_wait3A_43] : memref<128x16xf32, #tpu.memory_space<vmem>> -> memref<16x16xf32, #tpu.memory_space<vmem>>
      %dma_wait3A_45 = arith.constant 0 : i32
      %dma_wait3A_46 = arith.constant 0 : i32
      %dma_wait3A_47 = tpu.memref_slice %arg8[%dma_wait3A_45, %dma_wait3A_46] : memref<10240x16xf32, #tpu.memory_space<vmem_shared>> -> memref<10240x16xf32, #tpu.memory_space<vmem_shared>>
      tpu.wait_indirect_dma semaphore(%run_scoped3A : memref<!tpu.dma_semaphore, #tpu.memory_space<semaphore_mem>>) src(%dma_wait3A_44 : memref<16x16xf32, #tpu.memory_space<vmem>>) dst(%dma_wait3A_47 : memref<10240x16xf32, #tpu.memory_space<vmem_shared>>)
      tpu.yield
    }) : () -> ()
    %barrier3A_33 = arith.constant 0 : index
    tpu.barrier barrier_id(%barrier3A_33)
    %mul3A_34 = arith.constant 640 : i32
    %mul3A_35 = arith.muli %arg1, %mul3A_34 : i32
    %mul3A_36 = arith.constant 640 : i32
    %mul3A_37 = arith.muli %arg1, %mul3A_36 : i32
    "tpu.region"() ({
      %run_scoped3A = tpu.sem_alloc : memref<!tpu.dma_semaphore, #tpu.memory_space<semaphore_mem>>
      %dma_start3A = arith.constant 0 : i32
      %dma_start3A_38 = tpu.memref_slice %arg3[%arg0, %mul3A_37, %dma_start3A] : memref<2x10240x16xf32, #tpu.memory_space<hbm>> -> memref<1x640x16xf32, #tpu.memory_space<hbm>>
      %dma_start3A_39 = tpu.memref_squeeze %dma_start3A_38 : memref<1x640x16xf32, #tpu.memory_space<hbm>> -> memref<640x16xf32, #tpu.memory_space<hbm>>
      %dma_start3A_40 = arith.constant 0 : i32
      %dma_start3A_41 = tpu.memref_slice %arg8[%mul3A_35, %dma_start3A_40] : memref<10240x16xf32, #tpu.memory_space<vmem_shared>> -> memref<640x16xf32, #tpu.memory_space<vmem_shared>>
      tpu.enqueue_dma source(%dma_start3A_41 : memref<640x16xf32, #tpu.memory_space<vmem_shared>>) target(%dma_start3A_39 : memref<640x16xf32, #tpu.memory_space<hbm>>) target_semaphore(%run_scoped3A : memref<!tpu.dma_semaphore, #tpu.memory_space<semaphore_mem>>)
      %dma_wait3A = arith.constant 0 : i32
      %dma_wait3A_42 = tpu.memref_slice %arg3[%arg0, %mul3A_37, %dma_wait3A] : memref<2x10240x16xf32, #tpu.memory_space<hbm>> -> memref<1x640x16xf32, #tpu.memory_space<hbm>>
      %dma_wait3A_43 = tpu.memref_squeeze %dma_wait3A_42 : memref<1x640x16xf32, #tpu.memory_space<hbm>> -> memref<640x16xf32, #tpu.memory_space<hbm>>
      %dma_wait3A_44 = arith.constant 0 : i32
      %dma_wait3A_45 = tpu.memref_slice %arg8[%mul3A_35, %dma_wait3A_44] : memref<10240x16xf32, #tpu.memory_space<vmem_shared>> -> memref<640x16xf32, #tpu.memory_space<vmem_shared>>
      tpu.wait_dma2 semaphore(%run_scoped3A : memref<!tpu.dma_semaphore, #tpu.memory_space<semaphore_mem>>) src(%dma_wait3A_45 : memref<640x16xf32, #tpu.memory_space<vmem_shared>>) dst(%dma_wait3A_43 : memref<640x16xf32, #tpu.memory_space<hbm>>)
      tpu.yield
    }) : () -> ()
    return
  }
}

#map = affine_map<(d0, d1) -> (0, 0)>
#map1 = affine_map<(d0, d1) -> (0)>
#map2 = affine_map<(d0, d1) -> (0, 0, 0)>
module attributes {stable_mosaic.version = 14 : i64} {
  func.func @_prop_kernel(%arg0: i32, %arg1: i32, %arg2: memref<10000x64xf32, #tpu.memory_space<hbm>>, %arg3: memref<320000xi32, #tpu.memory_space<hbm>>, %arg4: memref<320000xi32, #tpu.memory_space<hbm>>, %arg5: memref<2x10240x64xf32, #tpu.memory_space<hbm>>, %arg6: memref<128xi32, #tpu.memory_space<vmem>>, %arg7: memref<128xi32, #tpu.memory_space<vmem>>, %arg8: memref<16xi32, #tpu.memory_space<vmem>>, %arg9: memref<16xi32, #tpu.memory_space<vmem>>, %arg10: memref<128x64xf32, #tpu.memory_space<vmem>>, %arg11: memref<16x64xf32, #tpu.memory_space<vmem>>, %arg12: memref<128x64xf32, #tpu.memory_space<vmem>>, %arg13: memref<10240x64xf32, #tpu.memory_space<vmem_shared>>, %arg14: memref<!tpu.dma_semaphore, #tpu.memory_space<semaphore_mem>>) attributes {dimension_semantics = [#tpu.dimension_semantics<core_parallel>, #tpu.dimension_semantics<subcore_parallel>], iteration_bounds = array<i64: 2, 16>, scalar_prefetch = 0 : i64, scratch_operands = 9 : i64, tpu.core_type = #tpu.core_type<sc_vector_subcore>, window_params = [{transform_indices = #map}, {transform_indices = #map1}, {transform_indices = #map1}, {transform_indices = #map2}]} {
    %mul3A = arith.constant 16 : i32
    %mul3A_0 = arith.muli %arg0, %mul3A : i32
    %add3A = arith.addi %mul3A_0, %arg1 : i32
    %broadcast_in_dim3A = arith.constant 0.000000e+00 : f32
    %broadcast_in_dim3A_1 = vector.broadcast %broadcast_in_dim3A : f32 to vector<16xf32>
    %scan3A = arith.constant 0 : i32
    %scan3A_2 = arith.constant 0 : i32
    %scan3A_3 = arith.constant 512 : i32
    %scan3A_4 = arith.addi %scan3A_2, %scan3A_3 : i32
    %scan3A_5 = arith.constant 1 : i32
    %scan3A_6 = scf.for %scan3A_35 = %scan3A_2 to %scan3A_4 step %scan3A_5 iter_args(%scan3A_36 = %scan3A) -> (i32)  : i32 {
      %jit3A = arith.constant 4 : i32
      %div3A = arith.divsi %scan3A_35, %jit3A : i32
      %sign3A = arith.constant 0 : i32
      %sign3A_37 = arith.cmpi sgt, %scan3A_35, %sign3A : i32
      %sign3A_38 = arith.extui %sign3A_37 : i1 to i32
      %sign3A_39 = arith.constant 0 : i32
      %sign3A_40 = arith.cmpi slt, %scan3A_35, %sign3A_39 : i32
      %sign3A_41 = arith.extui %sign3A_40 : i1 to i32
      %sign3A_42 = arith.subi %sign3A_38, %sign3A_41 : i32
      %sign3A_43 = arith.constant 0 : i32
      %sign3A_44 = arith.cmpi sgt, %jit3A, %sign3A_43 : i32
      %sign3A_45 = arith.extui %sign3A_44 : i1 to i32
      %sign3A_46 = arith.constant 0 : i32
      %sign3A_47 = arith.cmpi slt, %jit3A, %sign3A_46 : i32
      %sign3A_48 = arith.extui %sign3A_47 : i1 to i32
      %sign3A_49 = arith.subi %sign3A_45, %sign3A_48 : i32
      %ne3A = arith.cmpi ne, %sign3A_42, %sign3A_49 : i32
      %rem3A = arith.remsi %scan3A_35, %jit3A : i32
      %ne3A_50 = arith.constant 0 : i32
      %ne3A_51 = arith.cmpi ne, %rem3A, %ne3A_50 : i32
      %and3A = arith.andi %ne3A, %ne3A_51 : i1
      %sub3A = arith.constant 1 : i32
      %sub3A_52 = arith.subi %div3A, %sub3A : i32
      %select_n3A = arith.select %and3A, %sub3A_52, %div3A : i32
      %jit3A_53 = arith.constant 4 : i32
      %eq3A = arith.constant 0 : i32
      %eq3A_54 = arith.cmpi eq, %jit3A_53, %eq3A : i32
      %jit3A_55 = arith.constant 1 : i32
      %select_n3A_56 = arith.select %eq3A_54, %jit3A_55, %jit3A_53 : i32
      %rem3A_57 = arith.remsi %scan3A_35, %select_n3A_56 : i32
      %ne3A_58 = arith.constant 0 : i32
      %ne3A_59 = arith.cmpi ne, %rem3A_57, %ne3A_58 : i32
      %lt3A = arith.constant 0 : i32
      %lt3A_60 = arith.cmpi slt, %rem3A_57, %lt3A : i32
      %lt3A_61 = arith.constant 0 : i32
      %lt3A_62 = arith.cmpi slt, %select_n3A_56, %lt3A_61 : i32
      %ne3A_63 = arith.xori %lt3A_60, %lt3A_62 : i1
      %and3A_64 = arith.andi %ne3A_63, %ne3A_59 : i1
      %add3A_65 = arith.addi %rem3A_57, %select_n3A_56 : i32
      %select_n3A_66 = arith.select %and3A_64, %add3A_65, %rem3A_57 : i32
      %mul3A_67 = arith.constant 16 : i32
      %mul3A_68 = arith.muli %select_n3A_66, %mul3A_67 : i32
      %swap3A = arith.index_cast %select_n3A : i32 to index
      %swap3A_69 = arith.index_cast %mul3A_68 : i32 to index
      %swap3A_70 = tpu.vector_load %arg12[%swap3A, %swap3A_69] {strides = array<i32>} : memref<128x64xf32, #tpu.memory_space<vmem>>, vector<1x16xf32>,
      %swap3A_71 = vector.shape_cast %swap3A_70 : vector<1x16xf32> to vector<16xf32>
      %swap3A_72 = vector.shape_cast %broadcast_in_dim3A_1 : vector<16xf32> to vector<1x16xf32>
      tpu.vector_store %arg12[%swap3A, %swap3A_69], %swap3A_72 {strides = array<i32>} : memref<128x64xf32, #tpu.memory_space<vmem>>, vector<1x16xf32>,
      %scan3A_73 = arith.constant 0 : i32
      scf.yield %scan3A_73 : i32
    }
    %scan3A_7 = arith.constant 512 : i32
    %scan3A_8 = arith.constant 0 : i32
    %scan3A_9 = arith.constant 0 : i32
    %scan3A_10 = arith.constant 5 : i32
    %scan3A_11 = arith.addi %scan3A_9, %scan3A_10 : i32
    %scan3A_12 = arith.constant 1 : i32
    %scan3A_13 = scf.for %scan3A_35 = %scan3A_9 to %scan3A_11 step %scan3A_12 iter_args(%scan3A_36 = %scan3A_8) -> (i32)  : i32 {
      %mul3A_37 = arith.constant 640 : i32
      %mul3A_38 = arith.muli %arg1, %mul3A_37 : i32
      %mul3A_39 = arith.constant 128 : i32
      %mul3A_40 = arith.muli %scan3A_35, %mul3A_39 : i32
      %add3A_41 = arith.addi %mul3A_38, %mul3A_40 : i32
      "tpu.region"() ({
        %run_scoped3A = tpu.sem_alloc : memref<!tpu.dma_semaphore, #tpu.memory_space<semaphore_mem>>
        %dma_start3A_43 = arith.constant 0 : i32
        %dma_start3A_44 = tpu.memref_slice %arg13[%add3A_41, %dma_start3A_43] : memref<10240x64xf32, #tpu.memory_space<vmem_shared>> -> memref<128x64xf32, #tpu.memory_space<vmem_shared>>
        %dma_start3A_45 = arith.constant 0 : i32
        %dma_start3A_46 = tpu.memref_slice %arg13[%add3A_41, %dma_start3A_45] : memref<10240x64xf32, #tpu.memory_space<vmem_shared>> -> memref<128x64xf32, #tpu.memory_space<vmem_shared>>
        tpu.enqueue_dma source(%arg12 : memref<128x64xf32, #tpu.memory_space<vmem>>) target(%dma_start3A_46 : memref<128x64xf32, #tpu.memory_space<vmem_shared>>) target_semaphore(%run_scoped3A : memref<!tpu.dma_semaphore, #tpu.memory_space<semaphore_mem>>)
        %dma_wait3A_47 = arith.constant 0 : i32
        %dma_wait3A_48 = tpu.memref_slice %arg13[%add3A_41, %dma_wait3A_47] : memref<10240x64xf32, #tpu.memory_space<vmem_shared>> -> memref<128x64xf32, #tpu.memory_space<vmem_shared>>
        %dma_wait3A_49 = arith.constant 0 : i32
        %dma_wait3A_50 = tpu.memref_slice %arg13[%add3A_41, %dma_wait3A_49] : memref<10240x64xf32, #tpu.memory_space<vmem_shared>> -> memref<128x64xf32, #tpu.memory_space<vmem_shared>>
        tpu.wait_dma2 semaphore(%run_scoped3A : memref<!tpu.dma_semaphore, #tpu.memory_space<semaphore_mem>>) src(%arg12 : memref<128x64xf32, #tpu.memory_space<vmem>>) dst(%dma_wait3A_50 : memref<128x64xf32, #tpu.memory_space<vmem_shared>>)
        tpu.yield
      }) : () -> ()
      %scan3A_42 = arith.constant 0 : i32
      scf.yield %scan3A_42 : i32
    }
    %scan3A_14 = arith.constant 5 : i32
    %barrier3A = arith.constant 0 : index
    tpu.barrier barrier_id(%barrier3A)
    %mul3A_15 = arith.constant 10000 : i32
    %mul3A_16 = arith.muli %add3A, %mul3A_15 : i32
    %scan3A_17 = arith.constant 0 : i32
    %scan3A_18 = arith.constant 0 : i32
    %scan3A_19 = arith.constant 78 : i32
    %scan3A_20 = arith.addi %scan3A_18, %scan3A_19 : i32
    %scan3A_21 = arith.constant 1 : i32
    %scan3A_22 = scf.for %scan3A_35 = %scan3A_18 to %scan3A_20 step %scan3A_21 iter_args(%scan3A_36 = %scan3A_17) -> (i32)  : i32 {
      %mul3A_37 = arith.constant 128 : i32
      %mul3A_38 = arith.muli %scan3A_35, %mul3A_37 : i32
      %add3A_39 = arith.addi %mul3A_16, %mul3A_38 : i32
      %multiple_of3A_40 = tpu.assume_multiple %add3A_39, 8 : i32
      "tpu.region"() ({
        %run_scoped3A = tpu.sem_alloc : memref<!tpu.dma_semaphore, #tpu.memory_space<semaphore_mem>>
        %dma_start3A_48 = tpu.memref_slice %arg3[%multiple_of3A_40] : memref<320000xi32, #tpu.memory_space<hbm>> -> memref<128xi32, #tpu.memory_space<hbm>>
        %dma_start3A_49 = tpu.memref_slice %arg3[%multiple_of3A_40] : memref<320000xi32, #tpu.memory_space<hbm>> -> memref<128xi32, #tpu.memory_space<hbm>>
        tpu.enqueue_dma source(%dma_start3A_49 : memref<128xi32, #tpu.memory_space<hbm>>) target(%arg6 : memref<128xi32, #tpu.memory_space<vmem>>) target_semaphore(%run_scoped3A : memref<!tpu.dma_semaphore, #tpu.memory_space<semaphore_mem>>)
        %dma_wait3A_50 = tpu.memref_slice %arg3[%multiple_of3A_40] : memref<320000xi32, #tpu.memory_space<hbm>> -> memref<128xi32, #tpu.memory_space<hbm>>
        %dma_wait3A_51 = tpu.memref_slice %arg3[%multiple_of3A_40] : memref<320000xi32, #tpu.memory_space<hbm>> -> memref<128xi32, #tpu.memory_space<hbm>>
        tpu.wait_dma2 semaphore(%run_scoped3A : memref<!tpu.dma_semaphore, #tpu.memory_space<semaphore_mem>>) src(%dma_wait3A_51 : memref<128xi32, #tpu.memory_space<hbm>>) dst(%arg6 : memref<128xi32, #tpu.memory_space<vmem>>)
        tpu.yield
      }) : () -> ()
      %dma_start3A_41 = arith.constant 0 : i32
      %dma_start3A_42 = arith.constant 0 : i32
      %dma_start3A_43 = tpu.memref_slice %arg2[%dma_start3A_41, %dma_start3A_42] : memref<10000x64xf32, #tpu.memory_space<hbm>> -> memref<10000x64xf32, #tpu.memory_space<hbm>>
      tpu.enqueue_indirect_dma source(%dma_start3A_43 : memref<10000x64xf32, #tpu.memory_space<hbm>>) target(%arg10 : memref<128x64xf32, #tpu.memory_space<vmem>>) offsets(%arg6 : memref<128xi32, #tpu.memory_space<vmem>>) semaphore(%arg14 : memref<!tpu.dma_semaphore, #tpu.memory_space<semaphore_mem>>)
      %dma_wait3A_44 = arith.constant 0 : i32
      %dma_wait3A_45 = arith.constant 0 : i32
      %dma_wait3A_46 = tpu.memref_slice %arg2[%dma_wait3A_44, %dma_wait3A_45] : memref<10000x64xf32, #tpu.memory_space<hbm>> -> memref<10000x64xf32, #tpu.memory_space<hbm>>
      tpu.wait_indirect_dma semaphore(%arg14 : memref<!tpu.dma_semaphore, #tpu.memory_space<semaphore_mem>>) src(%dma_wait3A_46 : memref<10000x64xf32, #tpu.memory_space<hbm>>) dst(%arg10 : memref<128x64xf32, #tpu.memory_space<vmem>>)
      "tpu.region"() ({
        %run_scoped3A = tpu.sem_alloc : memref<!tpu.dma_semaphore, #tpu.memory_space<semaphore_mem>>
        %dma_start3A_48 = tpu.memref_slice %arg4[%multiple_of3A_40] : memref<320000xi32, #tpu.memory_space<hbm>> -> memref<128xi32, #tpu.memory_space<hbm>>
        %dma_start3A_49 = tpu.memref_slice %arg4[%multiple_of3A_40] : memref<320000xi32, #tpu.memory_space<hbm>> -> memref<128xi32, #tpu.memory_space<hbm>>
        tpu.enqueue_dma source(%dma_start3A_49 : memref<128xi32, #tpu.memory_space<hbm>>) target(%arg7 : memref<128xi32, #tpu.memory_space<vmem>>) target_semaphore(%run_scoped3A : memref<!tpu.dma_semaphore, #tpu.memory_space<semaphore_mem>>)
        %dma_wait3A_50 = tpu.memref_slice %arg4[%multiple_of3A_40] : memref<320000xi32, #tpu.memory_space<hbm>> -> memref<128xi32, #tpu.memory_space<hbm>>
        %dma_wait3A_51 = tpu.memref_slice %arg4[%multiple_of3A_40] : memref<320000xi32, #tpu.memory_space<hbm>> -> memref<128xi32, #tpu.memory_space<hbm>>
        tpu.wait_dma2 semaphore(%run_scoped3A : memref<!tpu.dma_semaphore, #tpu.memory_space<semaphore_mem>>) src(%dma_wait3A_51 : memref<128xi32, #tpu.memory_space<hbm>>) dst(%arg7 : memref<128xi32, #tpu.memory_space<vmem>>)
        tpu.yield
      }) : () -> ()
      "tpu.region"() ({
        %run_scoped3A = tpu.sem_alloc : memref<!tpu.dma_semaphore, #tpu.memory_space<semaphore_mem>>
        %dma_start3A_48 = arith.constant 0 : i32
        %dma_start3A_49 = arith.constant 0 : i32
        %dma_start3A_50 = tpu.memref_slice %arg13[%dma_start3A_48, %dma_start3A_49] : memref<10240x64xf32, #tpu.memory_space<vmem_shared>> -> memref<10240x64xf32, #tpu.memory_space<vmem_shared>>
        tpu.enqueue_indirect_dma source(%arg10 : memref<128x64xf32, #tpu.memory_space<vmem>>) target(%dma_start3A_50 : memref<10240x64xf32, #tpu.memory_space<vmem_shared>>) offsets(%arg7 : memref<128xi32, #tpu.memory_space<vmem>>) semaphore(%run_scoped3A : memref<!tpu.dma_semaphore, #tpu.memory_space<semaphore_mem>>) {add = true}
        %dma_wait3A_51 = arith.constant 0 : i32
        %dma_wait3A_52 = arith.constant 0 : i32
        %dma_wait3A_53 = tpu.memref_slice %arg13[%dma_wait3A_51, %dma_wait3A_52] : memref<10240x64xf32, #tpu.memory_space<vmem_shared>> -> memref<10240x64xf32, #tpu.memory_space<vmem_shared>>
        tpu.wait_indirect_dma semaphore(%run_scoped3A : memref<!tpu.dma_semaphore, #tpu.memory_space<semaphore_mem>>) src(%arg10 : memref<128x64xf32, #tpu.memory_space<vmem>>) dst(%dma_wait3A_53 : memref<10240x64xf32, #tpu.memory_space<vmem_shared>>)
        tpu.yield
      }) : () -> ()
      %scan3A_47 = arith.constant 0 : i32
      scf.yield %scan3A_47 : i32
    }
    %scan3A_23 = arith.constant 78 : i32
    %add3A_24 = arith.constant 9984 : i32
    %add3A_25 = arith.addi %mul3A_16, %add3A_24 : i32
    %multiple_of3A = tpu.assume_multiple %add3A_25, 8 : i32
    "tpu.region"() ({
      %run_scoped3A = tpu.sem_alloc : memref<!tpu.dma_semaphore, #tpu.memory_space<semaphore_mem>>
      %dma_start3A_35 = tpu.memref_slice %arg3[%multiple_of3A] : memref<320000xi32, #tpu.memory_space<hbm>> -> memref<16xi32, #tpu.memory_space<hbm>>
      %dma_start3A_36 = tpu.memref_slice %arg3[%multiple_of3A] : memref<320000xi32, #tpu.memory_space<hbm>> -> memref<16xi32, #tpu.memory_space<hbm>>
      tpu.enqueue_dma source(%dma_start3A_36 : memref<16xi32, #tpu.memory_space<hbm>>) target(%arg8 : memref<16xi32, #tpu.memory_space<vmem>>) target_semaphore(%run_scoped3A : memref<!tpu.dma_semaphore, #tpu.memory_space<semaphore_mem>>)
      %dma_wait3A_37 = tpu.memref_slice %arg3[%multiple_of3A] : memref<320000xi32, #tpu.memory_space<hbm>> -> memref<16xi32, #tpu.memory_space<hbm>>
      %dma_wait3A_38 = tpu.memref_slice %arg3[%multiple_of3A] : memref<320000xi32, #tpu.memory_space<hbm>> -> memref<16xi32, #tpu.memory_space<hbm>>
      tpu.wait_dma2 semaphore(%run_scoped3A : memref<!tpu.dma_semaphore, #tpu.memory_space<semaphore_mem>>) src(%dma_wait3A_38 : memref<16xi32, #tpu.memory_space<hbm>>) dst(%arg8 : memref<16xi32, #tpu.memory_space<vmem>>)
      tpu.yield
    }) : () -> ()
    %dma_start3A = arith.constant 0 : i32
    %dma_start3A_26 = arith.constant 0 : i32
    %dma_start3A_27 = tpu.memref_slice %arg2[%dma_start3A, %dma_start3A_26] : memref<10000x64xf32, #tpu.memory_space<hbm>> -> memref<10000x64xf32, #tpu.memory_space<hbm>>
    tpu.enqueue_indirect_dma source(%dma_start3A_27 : memref<10000x64xf32, #tpu.memory_space<hbm>>) target(%arg11 : memref<16x64xf32, #tpu.memory_space<vmem>>) offsets(%arg8 : memref<16xi32, #tpu.memory_space<vmem>>) semaphore(%arg14 : memref<!tpu.dma_semaphore, #tpu.memory_space<semaphore_mem>>)
    %dma_wait3A = arith.constant 0 : i32
    %dma_wait3A_28 = arith.constant 0 : i32
    %dma_wait3A_29 = tpu.memref_slice %arg2[%dma_wait3A, %dma_wait3A_28] : memref<10000x64xf32, #tpu.memory_space<hbm>> -> memref<10000x64xf32, #tpu.memory_space<hbm>>
    tpu.wait_indirect_dma semaphore(%arg14 : memref<!tpu.dma_semaphore, #tpu.memory_space<semaphore_mem>>) src(%dma_wait3A_29 : memref<10000x64xf32, #tpu.memory_space<hbm>>) dst(%arg11 : memref<16x64xf32, #tpu.memory_space<vmem>>)
    "tpu.region"() ({
      %run_scoped3A = tpu.sem_alloc : memref<!tpu.dma_semaphore, #tpu.memory_space<semaphore_mem>>
      %dma_start3A_35 = tpu.memref_slice %arg4[%multiple_of3A] : memref<320000xi32, #tpu.memory_space<hbm>> -> memref<16xi32, #tpu.memory_space<hbm>>
      %dma_start3A_36 = tpu.memref_slice %arg4[%multiple_of3A] : memref<320000xi32, #tpu.memory_space<hbm>> -> memref<16xi32, #tpu.memory_space<hbm>>
      tpu.enqueue_dma source(%dma_start3A_36 : memref<16xi32, #tpu.memory_space<hbm>>) target(%arg9 : memref<16xi32, #tpu.memory_space<vmem>>) target_semaphore(%run_scoped3A : memref<!tpu.dma_semaphore, #tpu.memory_space<semaphore_mem>>)
      %dma_wait3A_37 = tpu.memref_slice %arg4[%multiple_of3A] : memref<320000xi32, #tpu.memory_space<hbm>> -> memref<16xi32, #tpu.memory_space<hbm>>
      %dma_wait3A_38 = tpu.memref_slice %arg4[%multiple_of3A] : memref<320000xi32, #tpu.memory_space<hbm>> -> memref<16xi32, #tpu.memory_space<hbm>>
      tpu.wait_dma2 semaphore(%run_scoped3A : memref<!tpu.dma_semaphore, #tpu.memory_space<semaphore_mem>>) src(%dma_wait3A_38 : memref<16xi32, #tpu.memory_space<hbm>>) dst(%arg9 : memref<16xi32, #tpu.memory_space<vmem>>)
      tpu.yield
    }) : () -> ()
    "tpu.region"() ({
      %run_scoped3A = tpu.sem_alloc : memref<!tpu.dma_semaphore, #tpu.memory_space<semaphore_mem>>
      %dma_start3A_35 = arith.constant 0 : i32
      %dma_start3A_36 = arith.constant 0 : i32
      %dma_start3A_37 = tpu.memref_slice %arg13[%dma_start3A_35, %dma_start3A_36] : memref<10240x64xf32, #tpu.memory_space<vmem_shared>> -> memref<10240x64xf32, #tpu.memory_space<vmem_shared>>
      tpu.enqueue_indirect_dma source(%arg11 : memref<16x64xf32, #tpu.memory_space<vmem>>) target(%dma_start3A_37 : memref<10240x64xf32, #tpu.memory_space<vmem_shared>>) offsets(%arg9 : memref<16xi32, #tpu.memory_space<vmem>>) semaphore(%run_scoped3A : memref<!tpu.dma_semaphore, #tpu.memory_space<semaphore_mem>>) {add = true}
      %dma_wait3A_38 = arith.constant 0 : i32
      %dma_wait3A_39 = arith.constant 0 : i32
      %dma_wait3A_40 = tpu.memref_slice %arg13[%dma_wait3A_38, %dma_wait3A_39] : memref<10240x64xf32, #tpu.memory_space<vmem_shared>> -> memref<10240x64xf32, #tpu.memory_space<vmem_shared>>
      tpu.wait_indirect_dma semaphore(%run_scoped3A : memref<!tpu.dma_semaphore, #tpu.memory_space<semaphore_mem>>) src(%arg11 : memref<16x64xf32, #tpu.memory_space<vmem>>) dst(%dma_wait3A_40 : memref<10240x64xf32, #tpu.memory_space<vmem_shared>>)
      tpu.yield
    }) : () -> ()
    %barrier3A_30 = arith.constant 0 : index
    tpu.barrier barrier_id(%barrier3A_30)
    %mul3A_31 = arith.constant 640 : i32
    %mul3A_32 = arith.muli %arg1, %mul3A_31 : i32
    %mul3A_33 = arith.constant 640 : i32
    %mul3A_34 = arith.muli %arg1, %mul3A_33 : i32
    "tpu.region"() ({
      %run_scoped3A = tpu.sem_alloc : memref<!tpu.dma_semaphore, #tpu.memory_space<semaphore_mem>>
      %dma_start3A_35 = arith.constant 0 : i32
      %dma_start3A_36 = tpu.memref_slice %arg5[%arg0, %mul3A_34, %dma_start3A_35] : memref<2x10240x64xf32, #tpu.memory_space<hbm>> -> memref<1x640x64xf32, #tpu.memory_space<hbm>>
      %dma_start3A_37 = tpu.memref_squeeze %dma_start3A_36 : memref<1x640x64xf32, #tpu.memory_space<hbm>> -> memref<640x64xf32, #tpu.memory_space<hbm>>
      %dma_start3A_38 = arith.constant 0 : i32
      %dma_start3A_39 = tpu.memref_slice %arg13[%mul3A_32, %dma_start3A_38] : memref<10240x64xf32, #tpu.memory_space<vmem_shared>> -> memref<640x64xf32, #tpu.memory_space<vmem_shared>>
      tpu.enqueue_dma source(%dma_start3A_39 : memref<640x64xf32, #tpu.memory_space<vmem_shared>>) target(%dma_start3A_37 : memref<640x64xf32, #tpu.memory_space<hbm>>) target_semaphore(%run_scoped3A : memref<!tpu.dma_semaphore, #tpu.memory_space<semaphore_mem>>)
      %dma_wait3A_40 = arith.constant 0 : i32
      %dma_wait3A_41 = tpu.memref_slice %arg5[%arg0, %mul3A_34, %dma_wait3A_40] : memref<2x10240x64xf32, #tpu.memory_space<hbm>> -> memref<1x640x64xf32, #tpu.memory_space<hbm>>
      %dma_wait3A_42 = tpu.memref_squeeze %dma_wait3A_41 : memref<1x640x64xf32, #tpu.memory_space<hbm>> -> memref<640x64xf32, #tpu.memory_space<hbm>>
      %dma_wait3A_43 = arith.constant 0 : i32
      %dma_wait3A_44 = tpu.memref_slice %arg13[%mul3A_32, %dma_wait3A_43] : memref<10240x64xf32, #tpu.memory_space<vmem_shared>> -> memref<640x64xf32, #tpu.memory_space<vmem_shared>>
      tpu.wait_dma2 semaphore(%run_scoped3A : memref<!tpu.dma_semaphore, #tpu.memory_space<semaphore_mem>>) src(%dma_wait3A_44 : memref<640x64xf32, #tpu.memory_space<vmem_shared>>) dst(%dma_wait3A_42 : memref<640x64xf32, #tpu.memory_space<hbm>>)
      tpu.yield
    }) : () -> ()
    return
  }
}

#map = affine_map<(d0, d1) -> (0, 0)>
#map1 = affine_map<(d0, d1) -> (0)>
#map2 = affine_map<(d0, d1) -> (0, 0, 0)>
module attributes {stable_mosaic.version = 14 : i64} {
  func.func @_prop_kernel(%arg0: i32, %arg1: i32, %arg2: memref<10000x64xf32, #tpu.memory_space<hbm>>, %arg3: memref<320000xi32, #tpu.memory_space<hbm>>, %arg4: memref<320000xi32, #tpu.memory_space<hbm>>, %arg5: memref<2x10240x64xf32, #tpu.memory_space<hbm>>, %arg6: memref<128xi32, #tpu.memory_space<vmem>>, %arg7: memref<128xi32, #tpu.memory_space<vmem>>, %arg8: memref<16xi32, #tpu.memory_space<vmem>>, %arg9: memref<16xi32, #tpu.memory_space<vmem>>, %arg10: memref<128x64xf32, #tpu.memory_space<vmem>>, %arg11: memref<16x64xf32, #tpu.memory_space<vmem>>, %arg12: memref<128x64xf32, #tpu.memory_space<vmem>>, %arg13: memref<10240x64xf32, #tpu.memory_space<vmem_shared>>, %arg14: memref<!tpu.dma_semaphore, #tpu.memory_space<semaphore_mem>>) attributes {dimension_semantics = [#tpu.dimension_semantics<core_parallel>, #tpu.dimension_semantics<subcore_parallel>], iteration_bounds = array<i64: 2, 16>, scalar_prefetch = 0 : i64, scratch_operands = 9 : i64, tpu.core_type = #tpu.core_type<sc_vector_subcore>, window_params = [{transform_indices = #map}, {transform_indices = #map1}, {transform_indices = #map1}, {transform_indices = #map2}]} {
    %mul3A = arith.constant 16 : i32
    %mul3A_0 = arith.muli %arg0, %mul3A : i32
    %add3A = arith.addi %mul3A_0, %arg1 : i32
    %broadcast_in_dim3A = arith.constant 0.000000e+00 : f32
    %broadcast_in_dim3A_1 = vector.broadcast %broadcast_in_dim3A : f32 to vector<16xf32>
    %scan3A = arith.constant 0 : i32
    %scan3A_2 = arith.constant 0 : i32
    %scan3A_3 = arith.constant 512 : i32
    %scan3A_4 = arith.addi %scan3A_2, %scan3A_3 : i32
    %scan3A_5 = arith.constant 1 : i32
    %scan3A_6 = scf.for %scan3A_35 = %scan3A_2 to %scan3A_4 step %scan3A_5 iter_args(%scan3A_36 = %scan3A) -> (i32)  : i32 {
      %jit3A = arith.constant 4 : i32
      %div3A = arith.divsi %scan3A_35, %jit3A : i32
      %sign3A = arith.constant 0 : i32
      %sign3A_37 = arith.cmpi sgt, %scan3A_35, %sign3A : i32
      %sign3A_38 = arith.extui %sign3A_37 : i1 to i32
      %sign3A_39 = arith.constant 0 : i32
      %sign3A_40 = arith.cmpi slt, %scan3A_35, %sign3A_39 : i32
      %sign3A_41 = arith.extui %sign3A_40 : i1 to i32
      %sign3A_42 = arith.subi %sign3A_38, %sign3A_41 : i32
      %sign3A_43 = arith.constant 0 : i32
      %sign3A_44 = arith.cmpi sgt, %jit3A, %sign3A_43 : i32
      %sign3A_45 = arith.extui %sign3A_44 : i1 to i32
      %sign3A_46 = arith.constant 0 : i32
      %sign3A_47 = arith.cmpi slt, %jit3A, %sign3A_46 : i32
      %sign3A_48 = arith.extui %sign3A_47 : i1 to i32
      %sign3A_49 = arith.subi %sign3A_45, %sign3A_48 : i32
      %ne3A = arith.cmpi ne, %sign3A_42, %sign3A_49 : i32
      %rem3A = arith.remsi %scan3A_35, %jit3A : i32
      %ne3A_50 = arith.constant 0 : i32
      %ne3A_51 = arith.cmpi ne, %rem3A, %ne3A_50 : i32
      %and3A = arith.andi %ne3A, %ne3A_51 : i1
      %sub3A = arith.constant 1 : i32
      %sub3A_52 = arith.subi %div3A, %sub3A : i32
      %select_n3A = arith.select %and3A, %sub3A_52, %div3A : i32
      %jit3A_53 = arith.constant 4 : i32
      %eq3A = arith.constant 0 : i32
      %eq3A_54 = arith.cmpi eq, %jit3A_53, %eq3A : i32
      %jit3A_55 = arith.constant 1 : i32
      %select_n3A_56 = arith.select %eq3A_54, %jit3A_55, %jit3A_53 : i32
      %rem3A_57 = arith.remsi %scan3A_35, %select_n3A_56 : i32
      %ne3A_58 = arith.constant 0 : i32
      %ne3A_59 = arith.cmpi ne, %rem3A_57, %ne3A_58 : i32
      %lt3A = arith.constant 0 : i32
      %lt3A_60 = arith.cmpi slt, %rem3A_57, %lt3A : i32
      %lt3A_61 = arith.constant 0 : i32
      %lt3A_62 = arith.cmpi slt, %select_n3A_56, %lt3A_61 : i32
      %ne3A_63 = arith.xori %lt3A_60, %lt3A_62 : i1
      %and3A_64 = arith.andi %ne3A_63, %ne3A_59 : i1
      %add3A_65 = arith.addi %rem3A_57, %select_n3A_56 : i32
      %select_n3A_66 = arith.select %and3A_64, %add3A_65, %rem3A_57 : i32
      %mul3A_67 = arith.constant 16 : i32
      %mul3A_68 = arith.muli %select_n3A_66, %mul3A_67 : i32
      %swap3A = arith.index_cast %select_n3A : i32 to index
      %swap3A_69 = arith.index_cast %mul3A_68 : i32 to index
      %swap3A_70 = tpu.vector_load %arg12[%swap3A, %swap3A_69] {strides = array<i32>} : memref<128x64xf32, #tpu.memory_space<vmem>>, vector<1x16xf32>,
      %swap3A_71 = vector.shape_cast %swap3A_70 : vector<1x16xf32> to vector<16xf32>
      %swap3A_72 = vector.shape_cast %broadcast_in_dim3A_1 : vector<16xf32> to vector<1x16xf32>
      tpu.vector_store %arg12[%swap3A, %swap3A_69], %swap3A_72 {strides = array<i32>} : memref<128x64xf32, #tpu.memory_space<vmem>>, vector<1x16xf32>,
      %scan3A_73 = arith.constant 0 : i32
      scf.yield %scan3A_73 : i32
    }
    %scan3A_7 = arith.constant 512 : i32
    %scan3A_8 = arith.constant 0 : i32
    %scan3A_9 = arith.constant 0 : i32
    %scan3A_10 = arith.constant 5 : i32
    %scan3A_11 = arith.addi %scan3A_9, %scan3A_10 : i32
    %scan3A_12 = arith.constant 1 : i32
    %scan3A_13 = scf.for %scan3A_35 = %scan3A_9 to %scan3A_11 step %scan3A_12 iter_args(%scan3A_36 = %scan3A_8) -> (i32)  : i32 {
      %mul3A_37 = arith.constant 640 : i32
      %mul3A_38 = arith.muli %arg1, %mul3A_37 : i32
      %mul3A_39 = arith.constant 128 : i32
      %mul3A_40 = arith.muli %scan3A_35, %mul3A_39 : i32
      %add3A_41 = arith.addi %mul3A_38, %mul3A_40 : i32
      "tpu.region"() ({
        %run_scoped3A = tpu.sem_alloc : memref<!tpu.dma_semaphore, #tpu.memory_space<semaphore_mem>>
        %dma_start3A_43 = arith.constant 0 : i32
        %dma_start3A_44 = tpu.memref_slice %arg13[%add3A_41, %dma_start3A_43] : memref<10240x64xf32, #tpu.memory_space<vmem_shared>> -> memref<128x64xf32, #tpu.memory_space<vmem_shared>>
        %dma_start3A_45 = arith.constant 0 : i32
        %dma_start3A_46 = tpu.memref_slice %arg13[%add3A_41, %dma_start3A_45] : memref<10240x64xf32, #tpu.memory_space<vmem_shared>> -> memref<128x64xf32, #tpu.memory_space<vmem_shared>>
        tpu.enqueue_dma source(%arg12 : memref<128x64xf32, #tpu.memory_space<vmem>>) target(%dma_start3A_46 : memref<128x64xf32, #tpu.memory_space<vmem_shared>>) target_semaphore(%run_scoped3A : memref<!tpu.dma_semaphore, #tpu.memory_space<semaphore_mem>>)
        %dma_wait3A_47 = arith.constant 0 : i32
        %dma_wait3A_48 = tpu.memref_slice %arg13[%add3A_41, %dma_wait3A_47] : memref<10240x64xf32, #tpu.memory_space<vmem_shared>> -> memref<128x64xf32, #tpu.memory_space<vmem_shared>>
        %dma_wait3A_49 = arith.constant 0 : i32
        %dma_wait3A_50 = tpu.memref_slice %arg13[%add3A_41, %dma_wait3A_49] : memref<10240x64xf32, #tpu.memory_space<vmem_shared>> -> memref<128x64xf32, #tpu.memory_space<vmem_shared>>
        tpu.wait_dma2 semaphore(%run_scoped3A : memref<!tpu.dma_semaphore, #tpu.memory_space<semaphore_mem>>) src(%arg12 : memref<128x64xf32, #tpu.memory_space<vmem>>) dst(%dma_wait3A_50 : memref<128x64xf32, #tpu.memory_space<vmem_shared>>)
        tpu.yield
      }) : () -> ()
      %scan3A_42 = arith.constant 0 : i32
      scf.yield %scan3A_42 : i32
    }
    %scan3A_14 = arith.constant 5 : i32
    %barrier3A = arith.constant 0 : index
    tpu.barrier barrier_id(%barrier3A)
    %mul3A_15 = arith.constant 10000 : i32
    %mul3A_16 = arith.muli %add3A, %mul3A_15 : i32
    %scan3A_17 = arith.constant 0 : i32
    %scan3A_18 = arith.constant 0 : i32
    %scan3A_19 = arith.constant 78 : i32
    %scan3A_20 = arith.addi %scan3A_18, %scan3A_19 : i32
    %scan3A_21 = arith.constant 1 : i32
    %scan3A_22 = scf.for %scan3A_35 = %scan3A_18 to %scan3A_20 step %scan3A_21 iter_args(%scan3A_36 = %scan3A_17) -> (i32)  : i32 {
      %mul3A_37 = arith.constant 128 : i32
      %mul3A_38 = arith.muli %scan3A_35, %mul3A_37 : i32
      %add3A_39 = arith.addi %mul3A_16, %mul3A_38 : i32
      %multiple_of3A_40 = tpu.assume_multiple %add3A_39, 8 : i32
      "tpu.region"() ({
        %run_scoped3A = tpu.sem_alloc : memref<!tpu.dma_semaphore, #tpu.memory_space<semaphore_mem>>
        %dma_start3A_48 = tpu.memref_slice %arg3[%multiple_of3A_40] : memref<320000xi32, #tpu.memory_space<hbm>> -> memref<128xi32, #tpu.memory_space<hbm>>
        %dma_start3A_49 = tpu.memref_slice %arg3[%multiple_of3A_40] : memref<320000xi32, #tpu.memory_space<hbm>> -> memref<128xi32, #tpu.memory_space<hbm>>
        tpu.enqueue_dma source(%dma_start3A_49 : memref<128xi32, #tpu.memory_space<hbm>>) target(%arg6 : memref<128xi32, #tpu.memory_space<vmem>>) target_semaphore(%run_scoped3A : memref<!tpu.dma_semaphore, #tpu.memory_space<semaphore_mem>>)
        %dma_wait3A_50 = tpu.memref_slice %arg3[%multiple_of3A_40] : memref<320000xi32, #tpu.memory_space<hbm>> -> memref<128xi32, #tpu.memory_space<hbm>>
        %dma_wait3A_51 = tpu.memref_slice %arg3[%multiple_of3A_40] : memref<320000xi32, #tpu.memory_space<hbm>> -> memref<128xi32, #tpu.memory_space<hbm>>
        tpu.wait_dma2 semaphore(%run_scoped3A : memref<!tpu.dma_semaphore, #tpu.memory_space<semaphore_mem>>) src(%dma_wait3A_51 : memref<128xi32, #tpu.memory_space<hbm>>) dst(%arg6 : memref<128xi32, #tpu.memory_space<vmem>>)
        tpu.yield
      }) : () -> ()
      %dma_start3A_41 = arith.constant 0 : i32
      %dma_start3A_42 = arith.constant 0 : i32
      %dma_start3A_43 = tpu.memref_slice %arg2[%dma_start3A_41, %dma_start3A_42] : memref<10000x64xf32, #tpu.memory_space<hbm>> -> memref<10000x64xf32, #tpu.memory_space<hbm>>
      tpu.enqueue_indirect_dma source(%dma_start3A_43 : memref<10000x64xf32, #tpu.memory_space<hbm>>) target(%arg10 : memref<128x64xf32, #tpu.memory_space<vmem>>) offsets(%arg6 : memref<128xi32, #tpu.memory_space<vmem>>) semaphore(%arg14 : memref<!tpu.dma_semaphore, #tpu.memory_space<semaphore_mem>>)
      %dma_wait3A_44 = arith.constant 0 : i32
      %dma_wait3A_45 = arith.constant 0 : i32
      %dma_wait3A_46 = tpu.memref_slice %arg2[%dma_wait3A_44, %dma_wait3A_45] : memref<10000x64xf32, #tpu.memory_space<hbm>> -> memref<10000x64xf32, #tpu.memory_space<hbm>>
      tpu.wait_indirect_dma semaphore(%arg14 : memref<!tpu.dma_semaphore, #tpu.memory_space<semaphore_mem>>) src(%dma_wait3A_46 : memref<10000x64xf32, #tpu.memory_space<hbm>>) dst(%arg10 : memref<128x64xf32, #tpu.memory_space<vmem>>)
      "tpu.region"() ({
        %run_scoped3A = tpu.sem_alloc : memref<!tpu.dma_semaphore, #tpu.memory_space<semaphore_mem>>
        %dma_start3A_48 = tpu.memref_slice %arg4[%multiple_of3A_40] : memref<320000xi32, #tpu.memory_space<hbm>> -> memref<128xi32, #tpu.memory_space<hbm>>
        %dma_start3A_49 = tpu.memref_slice %arg4[%multiple_of3A_40] : memref<320000xi32, #tpu.memory_space<hbm>> -> memref<128xi32, #tpu.memory_space<hbm>>
        tpu.enqueue_dma source(%dma_start3A_49 : memref<128xi32, #tpu.memory_space<hbm>>) target(%arg7 : memref<128xi32, #tpu.memory_space<vmem>>) target_semaphore(%run_scoped3A : memref<!tpu.dma_semaphore, #tpu.memory_space<semaphore_mem>>)
        %dma_wait3A_50 = tpu.memref_slice %arg4[%multiple_of3A_40] : memref<320000xi32, #tpu.memory_space<hbm>> -> memref<128xi32, #tpu.memory_space<hbm>>
        %dma_wait3A_51 = tpu.memref_slice %arg4[%multiple_of3A_40] : memref<320000xi32, #tpu.memory_space<hbm>> -> memref<128xi32, #tpu.memory_space<hbm>>
        tpu.wait_dma2 semaphore(%run_scoped3A : memref<!tpu.dma_semaphore, #tpu.memory_space<semaphore_mem>>) src(%dma_wait3A_51 : memref<128xi32, #tpu.memory_space<hbm>>) dst(%arg7 : memref<128xi32, #tpu.memory_space<vmem>>)
        tpu.yield
      }) : () -> ()
      "tpu.region"() ({
        %run_scoped3A = tpu.sem_alloc : memref<!tpu.dma_semaphore, #tpu.memory_space<semaphore_mem>>
        %dma_start3A_48 = arith.constant 0 : i32
        %dma_start3A_49 = arith.constant 0 : i32
        %dma_start3A_50 = tpu.memref_slice %arg13[%dma_start3A_48, %dma_start3A_49] : memref<10240x64xf32, #tpu.memory_space<vmem_shared>> -> memref<10240x64xf32, #tpu.memory_space<vmem_shared>>
        tpu.enqueue_indirect_dma source(%arg10 : memref<128x64xf32, #tpu.memory_space<vmem>>) target(%dma_start3A_50 : memref<10240x64xf32, #tpu.memory_space<vmem_shared>>) offsets(%arg7 : memref<128xi32, #tpu.memory_space<vmem>>) semaphore(%run_scoped3A : memref<!tpu.dma_semaphore, #tpu.memory_space<semaphore_mem>>) {add = true}
        %dma_wait3A_51 = arith.constant 0 : i32
        %dma_wait3A_52 = arith.constant 0 : i32
        %dma_wait3A_53 = tpu.memref_slice %arg13[%dma_wait3A_51, %dma_wait3A_52] : memref<10240x64xf32, #tpu.memory_space<vmem_shared>> -> memref<10240x64xf32, #tpu.memory_space<vmem_shared>>
        tpu.wait_indirect_dma semaphore(%run_scoped3A : memref<!tpu.dma_semaphore, #tpu.memory_space<semaphore_mem>>) src(%arg10 : memref<128x64xf32, #tpu.memory_space<vmem>>) dst(%dma_wait3A_53 : memref<10240x64xf32, #tpu.memory_space<vmem_shared>>)
        tpu.yield
      }) : () -> ()
      %scan3A_47 = arith.constant 0 : i32
      scf.yield %scan3A_47 : i32
    }
    %scan3A_23 = arith.constant 78 : i32
    %add3A_24 = arith.constant 9984 : i32
    %add3A_25 = arith.addi %mul3A_16, %add3A_24 : i32
    %multiple_of3A = tpu.assume_multiple %add3A_25, 8 : i32
    "tpu.region"() ({
      %run_scoped3A = tpu.sem_alloc : memref<!tpu.dma_semaphore, #tpu.memory_space<semaphore_mem>>
      %dma_start3A_35 = tpu.memref_slice %arg3[%multiple_of3A] : memref<320000xi32, #tpu.memory_space<hbm>> -> memref<16xi32, #tpu.memory_space<hbm>>
      %dma_start3A_36 = tpu.memref_slice %arg3[%multiple_of3A] : memref<320000xi32, #tpu.memory_space<hbm>> -> memref<16xi32, #tpu.memory_space<hbm>>
      tpu.enqueue_dma source(%dma_start3A_36 : memref<16xi32, #tpu.memory_space<hbm>>) target(%arg8 : memref<16xi32, #tpu.memory_space<vmem>>) target_semaphore(%run_scoped3A : memref<!tpu.dma_semaphore, #tpu.memory_space<semaphore_mem>>)
      %dma_wait3A_37 = tpu.memref_slice %arg3[%multiple_of3A] : memref<320000xi32, #tpu.memory_space<hbm>> -> memref<16xi32, #tpu.memory_space<hbm>>
      %dma_wait3A_38 = tpu.memref_slice %arg3[%multiple_of3A] : memref<320000xi32, #tpu.memory_space<hbm>> -> memref<16xi32, #tpu.memory_space<hbm>>
      tpu.wait_dma2 semaphore(%run_scoped3A : memref<!tpu.dma_semaphore, #tpu.memory_space<semaphore_mem>>) src(%dma_wait3A_38 : memref<16xi32, #tpu.memory_space<hbm>>) dst(%arg8 : memref<16xi32, #tpu.memory_space<vmem>>)
      tpu.yield
    }) : () -> ()
    %dma_start3A = arith.constant 0 : i32
    %dma_start3A_26 = arith.constant 0 : i32
    %dma_start3A_27 = tpu.memref_slice %arg2[%dma_start3A, %dma_start3A_26] : memref<10000x64xf32, #tpu.memory_space<hbm>> -> memref<10000x64xf32, #tpu.memory_space<hbm>>
    tpu.enqueue_indirect_dma source(%dma_start3A_27 : memref<10000x64xf32, #tpu.memory_space<hbm>>) target(%arg11 : memref<16x64xf32, #tpu.memory_space<vmem>>) offsets(%arg8 : memref<16xi32, #tpu.memory_space<vmem>>) semaphore(%arg14 : memref<!tpu.dma_semaphore, #tpu.memory_space<semaphore_mem>>)
    %dma_wait3A = arith.constant 0 : i32
    %dma_wait3A_28 = arith.constant 0 : i32
    %dma_wait3A_29 = tpu.memref_slice %arg2[%dma_wait3A, %dma_wait3A_28] : memref<10000x64xf32, #tpu.memory_space<hbm>> -> memref<10000x64xf32, #tpu.memory_space<hbm>>
    tpu.wait_indirect_dma semaphore(%arg14 : memref<!tpu.dma_semaphore, #tpu.memory_space<semaphore_mem>>) src(%dma_wait3A_29 : memref<10000x64xf32, #tpu.memory_space<hbm>>) dst(%arg11 : memref<16x64xf32, #tpu.memory_space<vmem>>)
    "tpu.region"() ({
      %run_scoped3A = tpu.sem_alloc : memref<!tpu.dma_semaphore, #tpu.memory_space<semaphore_mem>>
      %dma_start3A_35 = tpu.memref_slice %arg4[%multiple_of3A] : memref<320000xi32, #tpu.memory_space<hbm>> -> memref<16xi32, #tpu.memory_space<hbm>>
      %dma_start3A_36 = tpu.memref_slice %arg4[%multiple_of3A] : memref<320000xi32, #tpu.memory_space<hbm>> -> memref<16xi32, #tpu.memory_space<hbm>>
      tpu.enqueue_dma source(%dma_start3A_36 : memref<16xi32, #tpu.memory_space<hbm>>) target(%arg9 : memref<16xi32, #tpu.memory_space<vmem>>) target_semaphore(%run_scoped3A : memref<!tpu.dma_semaphore, #tpu.memory_space<semaphore_mem>>)
      %dma_wait3A_37 = tpu.memref_slice %arg4[%multiple_of3A] : memref<320000xi32, #tpu.memory_space<hbm>> -> memref<16xi32, #tpu.memory_space<hbm>>
      %dma_wait3A_38 = tpu.memref_slice %arg4[%multiple_of3A] : memref<320000xi32, #tpu.memory_space<hbm>> -> memref<16xi32, #tpu.memory_space<hbm>>
      tpu.wait_dma2 semaphore(%run_scoped3A : memref<!tpu.dma_semaphore, #tpu.memory_space<semaphore_mem>>) src(%dma_wait3A_38 : memref<16xi32, #tpu.memory_space<hbm>>) dst(%arg9 : memref<16xi32, #tpu.memory_space<vmem>>)
      tpu.yield
    }) : () -> ()
    "tpu.region"() ({
      %run_scoped3A = tpu.sem_alloc : memref<!tpu.dma_semaphore, #tpu.memory_space<semaphore_mem>>
      %dma_start3A_35 = arith.constant 0 : i32
      %dma_start3A_36 = arith.constant 0 : i32
      %dma_start3A_37 = tpu.memref_slice %arg13[%dma_start3A_35, %dma_start3A_36] : memref<10240x64xf32, #tpu.memory_space<vmem_shared>> -> memref<10240x64xf32, #tpu.memory_space<vmem_shared>>
      tpu.enqueue_indirect_dma source(%arg11 : memref<16x64xf32, #tpu.memory_space<vmem>>) target(%dma_start3A_37 : memref<10240x64xf32, #tpu.memory_space<vmem_shared>>) offsets(%arg9 : memref<16xi32, #tpu.memory_space<vmem>>) semaphore(%run_scoped3A : memref<!tpu.dma_semaphore, #tpu.memory_space<semaphore_mem>>) {add = true}
      %dma_wait3A_38 = arith.constant 0 : i32
      %dma_wait3A_39 = arith.constant 0 : i32
      %dma_wait3A_40 = tpu.memref_slice %arg13[%dma_wait3A_38, %dma_wait3A_39] : memref<10240x64xf32, #tpu.memory_space<vmem_shared>> -> memref<10240x64xf32, #tpu.memory_space<vmem_shared>>
      tpu.wait_indirect_dma semaphore(%run_scoped3A : memref<!tpu.dma_semaphore, #tpu.memory_space<semaphore_mem>>) src(%arg11 : memref<16x64xf32, #tpu.memory_space<vmem>>) dst(%dma_wait3A_40 : memref<10240x64xf32, #tpu.memory_space<vmem_shared>>)
      tpu.yield
    }) : () -> ()
    %barrier3A_30 = arith.constant 0 : index
    tpu.barrier barrier_id(%barrier3A_30)
    %mul3A_31 = arith.constant 640 : i32
    %mul3A_32 = arith.muli %arg1, %mul3A_31 : i32
    %mul3A_33 = arith.constant 640 : i32
    %mul3A_34 = arith.muli %arg1, %mul3A_33 : i32
    "tpu.region"() ({
      %run_scoped3A = tpu.sem_alloc : memref<!tpu.dma_semaphore, #tpu.memory_space<semaphore_mem>>
      %dma_start3A_35 = arith.constant 0 : i32
      %dma_start3A_36 = tpu.memref_slice %arg5[%arg0, %mul3A_34, %dma_start3A_35] : memref<2x10240x64xf32, #tpu.memory_space<hbm>> -> memref<1x640x64xf32, #tpu.memory_space<hbm>>
      %dma_start3A_37 = tpu.memref_squeeze %dma_start3A_36 : memref<1x640x64xf32, #tpu.memory_space<hbm>> -> memref<640x64xf32, #tpu.memory_space<hbm>>
      %dma_start3A_38 = arith.constant 0 : i32
      %dma_start3A_39 = tpu.memref_slice %arg13[%mul3A_32, %dma_start3A_38] : memref<10240x64xf32, #tpu.memory_space<vmem_shared>> -> memref<640x64xf32, #tpu.memory_space<vmem_shared>>
      tpu.enqueue_dma source(%dma_start3A_39 : memref<640x64xf32, #tpu.memory_space<vmem_shared>>) target(%dma_start3A_37 : memref<640x64xf32, #tpu.memory_space<hbm>>) target_semaphore(%run_scoped3A : memref<!tpu.dma_semaphore, #tpu.memory_space<semaphore_mem>>)
      %dma_wait3A_40 = arith.constant 0 : i32
      %dma_wait3A_41 = tpu.memref_slice %arg5[%arg0, %mul3A_34, %dma_wait3A_40] : memref<2x10240x64xf32, #tpu.memory_space<hbm>> -> memref<1x640x64xf32, #tpu.memory_space<hbm>>
      %dma_wait3A_42 = tpu.memref_squeeze %dma_wait3A_41 : memref<1x640x64xf32, #tpu.memory_space<hbm>> -> memref<640x64xf32, #tpu.memory_space<hbm>>
      %dma_wait3A_43 = arith.constant 0 : i32
      %dma_wait3A_44 = tpu.memref_slice %arg13[%mul3A_32, %dma_wait3A_43] : memref<10240x64xf32, #tpu.memory_space<vmem_shared>> -> memref<640x64xf32, #tpu.memory_space<vmem_shared>>
      tpu.wait_dma2 semaphore(%run_scoped3A : memref<!tpu.dma_semaphore, #tpu.memory_space<semaphore_mem>>) src(%dma_wait3A_44 : memref<640x64xf32, #tpu.memory_space<vmem_shared>>) dst(%dma_wait3A_42 : memref<640x64xf32, #tpu.memory_space<hbm>>)
      tpu.yield
    }) : () -> ()
    return
  }
}

module attributes {stable_mosaic.version = 14 : i64} {
  func.func @_tc1_body(%arg0: i32, %arg1: memref<400x128xf32, #tpu.memory_space<vmem>>, %arg2: memref<128x64xf32, #tpu.memory_space<vmem>>, %arg3: memref<1x64xf32, #tpu.memory_space<vmem>>, %arg4: memref<2x400x16xf32, #tpu.memory_space<vmem>>, %arg5: memref<400x64xf32, #tpu.memory_space<vmem>>, %arg6: memref<400x64xf32, #tpu.memory_space<vmem>>, %arg7: memref<400x1xf32, #tpu.memory_space<vmem>>) attributes {dimension_semantics = [#tpu.dimension_semantics<arbitrary>], iteration_bounds = array<i64: 25>, scalar_prefetch = 0 : i64, scratch_operands = 0 : i64, tpu.core_type = #tpu.core_type<tc>, window_params = [{transform_indices = @transform_0, window_bounds = array<i64: 400, 128>}, {pipeline_mode = #tpu.pipeline_mode<synchronous>, transform_indices = @transform_1, window_bounds = array<i64: 128, 64>}, {pipeline_mode = #tpu.pipeline_mode<synchronous>, transform_indices = @transform_2, window_bounds = array<i64: 1, 64>}, {transform_indices = @transform_3, window_bounds = array<i64: 2, 400, 16>}, {transform_indices = @transform_4, window_bounds = array<i64: 400, 64>}, {transform_indices = @transform_5, window_bounds = array<i64: 400, 64>}, {transform_indices = @transform_6, window_bounds = array<i64: 400, 1>}]} {
    %get3A = arith.constant 0 : index
    %get3A_0 = arith.constant 0 : index
    %get3A_1 = vector.load %arg1[%get3A, %get3A_0] : memref<400x128xf32, #tpu.memory_space<vmem>>, vector<400x128xf32>
    %get3A_2 = arith.constant 0 : index
    %get3A_3 = arith.constant 0 : index
    %get3A_4 = vector.load %arg2[%get3A_2, %get3A_3] : memref<128x64xf32, #tpu.memory_space<vmem>>, vector<128x64xf32>
    %dot_general3A = arith.constant dense<0.000000e+00> : vector<400x64xf32>
    %dot_general3A_5 = tpu.matmul %get3A_1, %get3A_4, %dot_general3A {dimension_numbers = #tpu.dot_dimension_numbers<[1], [0], [0], [1], [0, 0, 1, 1], [], []>, transpose_lhs_hint = false} : vector<400x128xf32>, vector<128x64xf32>, vector<400x64xf32> -> vector<400x64xf32>
    %get3A_6 = arith.constant 0 : index
    %get3A_7 = arith.constant 0 : index
    %get3A_8 = vector.load %arg3[%get3A_6, %get3A_7] : memref<1x64xf32, #tpu.memory_space<vmem>>, vector<1x64xf32>
    %add3A = vector.broadcast %get3A_8 : vector<1x64xf32> to vector<400x64xf32>
    %add3A_9 = arith.addf %dot_general3A_5, %add3A : vector<400x64xf32>
    %max3A = arith.constant 0.000000e+00 : f32
    %max3A_10 = vector.broadcast %max3A : f32 to vector<400x64xf32>
    %max3A_11 = arith.maximumf %add3A_9, %max3A_10 : vector<400x64xf32>
    %get3A_12 = arith.constant 0 : index
    %get3A_13 = arith.constant 0 : index
    %get3A_14 = arith.constant 0 : index
    %get3A_15 = vector.load %arg4[%get3A_12, %get3A_13, %get3A_14] : memref<2x400x16xf32, #tpu.memory_space<vmem>>, vector<1x400x1xf32>
    %get3A_16 = vector.shape_cast %get3A_15 : vector<1x400x1xf32> to vector<400x1xf32>
    %get3A_17 = arith.constant 1 : index
    %get3A_18 = arith.constant 0 : index
    %get3A_19 = arith.constant 0 : index
    %get3A_20 = vector.load %arg4[%get3A_17, %get3A_18, %get3A_19] : memref<2x400x16xf32, #tpu.memory_space<vmem>>, vector<1x400x1xf32>
    %get3A_21 = vector.shape_cast %get3A_20 : vector<1x400x1xf32> to vector<400x1xf32>
    %add3A_22 = arith.addf %get3A_16, %get3A_21 : vector<400x1xf32>
    %max3A_23 = arith.constant 1.000000e+00 : f32
    %max3A_24 = vector.broadcast %max3A_23 : f32 to vector<400x1xf32>
    %max3A_25 = arith.maximumf %add3A_22, %max3A_24 : vector<400x1xf32>
    %rsqrt3A = math.rsqrt %max3A_25 : vector<400x1xf32>
    %swap3A = arith.constant 0 : index
    %swap3A_26 = arith.constant 0 : index
    %swap3A_27 = vector.load %arg5[%swap3A, %swap3A_26] : memref<400x64xf32, #tpu.memory_space<vmem>>, vector<400x64xf32>
    tpu.vector_store %arg5[%swap3A, %swap3A_26], %max3A_11 {strides = array<i32>} : memref<400x64xf32, #tpu.memory_space<vmem>>, vector<400x64xf32>,
    %mul3A = vector.broadcast %rsqrt3A : vector<400x1xf32> to vector<400x64xf32>
    %mul3A_28 = arith.mulf %max3A_11, %mul3A : vector<400x64xf32>
    %swap3A_29 = arith.constant 0 : index
    %swap3A_30 = arith.constant 0 : index
    %swap3A_31 = vector.load %arg6[%swap3A_29, %swap3A_30] : memref<400x64xf32, #tpu.memory_space<vmem>>, vector<400x64xf32>
    tpu.vector_store %arg6[%swap3A_29, %swap3A_30], %mul3A_28 {strides = array<i32>} : memref<400x64xf32, #tpu.memory_space<vmem>>, vector<400x64xf32>,
    %swap3A_32 = arith.constant 0 : index
    %swap3A_33 = arith.constant 0 : index
    %swap3A_34 = vector.load %arg7[%swap3A_32, %swap3A_33] : memref<400x1xf32, #tpu.memory_space<vmem>>, vector<400x1xf32>
    tpu.vector_store %arg7[%swap3A_32, %swap3A_33], %rsqrt3A {strides = array<i32>} : memref<400x1xf32, #tpu.memory_space<vmem>>, vector<400x1xf32>,
    return
  }
  func.func @transform_0(%arg0: i32) -> (i32, i32) {
    %c0_i32 = arith.constant 0 : i32
    %c0_i32_0 = arith.constant 0 : i32
    return %arg0, %c0_i32 : i32, i32
  }
  func.func @transform_1(%arg0: i32) -> (i32, i32) {
    %c0_i32 = arith.constant 0 : i32
    %c0_i32_0 = arith.constant 0 : i32
    %c0_i32_1 = arith.constant 0 : i32
    return %c0_i32, %c0_i32_0 : i32, i32
  }
  func.func @transform_2(%arg0: i32) -> (i32, i32) {
    %c0_i32 = arith.constant 0 : i32
    %c0_i32_0 = arith.constant 0 : i32
    %c0_i32_1 = arith.constant 0 : i32
    return %c0_i32, %c0_i32_0 : i32, i32
  }
  func.func @transform_3(%arg0: i32) -> (i32, i32, i32) {
    %c0_i32 = arith.constant 0 : i32
    %c0_i32_0 = arith.constant 0 : i32
    %c0_i32_1 = arith.constant 0 : i32
    return %c0_i32, %arg0, %c0_i32_0 : i32, i32, i32
  }
  func.func @transform_4(%arg0: i32) -> (i32, i32) {
    %c0_i32 = arith.constant 0 : i32
    %c0_i32_0 = arith.constant 0 : i32
    return %arg0, %c0_i32 : i32, i32
  }
  func.func @transform_5(%arg0: i32) -> (i32, i32) {
    %c0_i32 = arith.constant 0 : i32
    %c0_i32_0 = arith.constant 0 : i32
    return %arg0, %c0_i32 : i32, i32
  }
  func.func @transform_6(%arg0: i32) -> (i32, i32) {
    %c0_i32 = arith.constant 0 : i32
    %c0_i32_0 = arith.constant 0 : i32
    return %arg0, %c0_i32 : i32, i32
  }
}

module attributes {stable_mosaic.version = 14 : i64} {
  func.func @_tc2_body(%arg0: i32, %arg1: memref<400x64xf32, #tpu.memory_space<vmem>>, %arg2: memref<2x400x64xf32, #tpu.memory_space<vmem>>, %arg3: memref<400x1xf32, #tpu.memory_space<vmem>>, %arg4: memref<400x64xf32, #tpu.memory_space<vmem>>, %arg5: memref<400x64xf32, #tpu.memory_space<vmem>>) attributes {dimension_semantics = [#tpu.dimension_semantics<arbitrary>], iteration_bounds = array<i64: 25>, scalar_prefetch = 0 : i64, scratch_operands = 0 : i64, tpu.core_type = #tpu.core_type<tc>, window_params = [{transform_indices = @transform_0, window_bounds = array<i64: 400, 64>}, {transform_indices = @transform_1, window_bounds = array<i64: 2, 400, 64>}, {transform_indices = @transform_2, window_bounds = array<i64: 400, 1>}, {transform_indices = @transform_3, window_bounds = array<i64: 400, 64>}, {transform_indices = @transform_4, window_bounds = array<i64: 400, 64>}]} {
    %get3A = arith.constant 0 : index
    %get3A_0 = arith.constant 0 : index
    %get3A_1 = vector.load %arg3[%get3A, %get3A_0] : memref<400x1xf32, #tpu.memory_space<vmem>>, vector<400x1xf32>
    %get3A_2 = arith.constant 0 : index
    %get3A_3 = arith.constant 0 : index
    %get3A_4 = vector.load %arg1[%get3A_2, %get3A_3] : memref<400x64xf32, #tpu.memory_space<vmem>>, vector<400x64xf32>
    %get3A_5 = arith.constant 0 : index
    %get3A_6 = arith.constant 0 : index
    %get3A_7 = arith.constant 0 : index
    %get3A_8 = vector.load %arg2[%get3A_5, %get3A_6, %get3A_7] : memref<2x400x64xf32, #tpu.memory_space<vmem>>, vector<1x400x64xf32>
    %get3A_9 = vector.shape_cast %get3A_8 : vector<1x400x64xf32> to vector<400x64xf32>
    %get3A_10 = arith.constant 1 : index
    %get3A_11 = arith.constant 0 : index
    %get3A_12 = arith.constant 0 : index
    %get3A_13 = vector.load %arg2[%get3A_10, %get3A_11, %get3A_12] : memref<2x400x64xf32, #tpu.memory_space<vmem>>, vector<1x400x64xf32>
    %get3A_14 = vector.shape_cast %get3A_13 : vector<1x400x64xf32> to vector<400x64xf32>
    %add3A = arith.addf %get3A_9, %get3A_14 : vector<400x64xf32>
    %mul3A = vector.broadcast %get3A_1 : vector<400x1xf32> to vector<400x64xf32>
    %mul3A_15 = arith.mulf %add3A, %mul3A : vector<400x64xf32>
    %sub3A = arith.subf %get3A_4, %mul3A_15 : vector<400x64xf32>
    %swap3A = arith.constant 0 : index
    %swap3A_16 = arith.constant 0 : index
    %swap3A_17 = vector.load %arg4[%swap3A, %swap3A_16] : memref<400x64xf32, #tpu.memory_space<vmem>>, vector<400x64xf32>
    tpu.vector_store %arg4[%swap3A, %swap3A_16], %sub3A {strides = array<i32>} : memref<400x64xf32, #tpu.memory_space<vmem>>, vector<400x64xf32>,
    %mul3A_18 = vector.broadcast %get3A_1 : vector<400x1xf32> to vector<400x64xf32>
    %mul3A_19 = arith.mulf %sub3A, %mul3A_18 : vector<400x64xf32>
    %swap3A_20 = arith.constant 0 : index
    %swap3A_21 = arith.constant 0 : index
    %swap3A_22 = vector.load %arg5[%swap3A_20, %swap3A_21] : memref<400x64xf32, #tpu.memory_space<vmem>>, vector<400x64xf32>
    tpu.vector_store %arg5[%swap3A_20, %swap3A_21], %mul3A_19 {strides = array<i32>} : memref<400x64xf32, #tpu.memory_space<vmem>>, vector<400x64xf32>,
    return
  }
  func.func @transform_0(%arg0: i32) -> (i32, i32) {
    %c0_i32 = arith.constant 0 : i32
    %c0_i32_0 = arith.constant 0 : i32
    return %arg0, %c0_i32 : i32, i32
  }
  func.func @transform_1(%arg0: i32) -> (i32, i32, i32) {
    %c0_i32 = arith.constant 0 : i32
    %c0_i32_0 = arith.constant 0 : i32
    %c0_i32_1 = arith.constant 0 : i32
    return %c0_i32, %arg0, %c0_i32_0 : i32, i32, i32
  }
  func.func @transform_2(%arg0: i32) -> (i32, i32) {
    %c0_i32 = arith.constant 0 : i32
    %c0_i32_0 = arith.constant 0 : i32
    return %arg0, %c0_i32 : i32, i32
  }
  func.func @transform_3(%arg0: i32) -> (i32, i32) {
    %c0_i32 = arith.constant 0 : i32
    %c0_i32_0 = arith.constant 0 : i32
    return %arg0, %c0_i32 : i32, i32
  }
  func.func @transform_4(%arg0: i32) -> (i32, i32) {
    %c0_i32 = arith.constant 0 : i32
    %c0_i32_0 = arith.constant 0 : i32
    return %arg0, %c0_i32 : i32, i32
  }
}

module attributes {stable_mosaic.version = 14 : i64} {
  func.func @_tc3_body(%arg0: i32, %arg1: memref<400x64xf32, #tpu.memory_space<vmem>>, %arg2: memref<400x64xf32, #tpu.memory_space<vmem>>, %arg3: memref<2x400x64xf32, #tpu.memory_space<vmem>>, %arg4: memref<400x1xf32, #tpu.memory_space<vmem>>, %arg5: memref<192x64xf32, #tpu.memory_space<vmem>>, %arg6: memref<1x64xf32, #tpu.memory_space<vmem>>, %arg7: memref<400x64xf32, #tpu.memory_space<vmem>>) attributes {dimension_semantics = [#tpu.dimension_semantics<arbitrary>], iteration_bounds = array<i64: 25>, scalar_prefetch = 0 : i64, scratch_operands = 0 : i64, tpu.core_type = #tpu.core_type<tc>, window_params = [{transform_indices = @transform_0, window_bounds = array<i64: 400, 64>}, {transform_indices = @transform_1, window_bounds = array<i64: 400, 64>}, {transform_indices = @transform_2, window_bounds = array<i64: 2, 400, 64>}, {transform_indices = @transform_3, window_bounds = array<i64: 400, 1>}, {pipeline_mode = #tpu.pipeline_mode<synchronous>, transform_indices = @transform_4, window_bounds = array<i64: 192, 64>}, {pipeline_mode = #tpu.pipeline_mode<synchronous>, transform_indices = @transform_5, window_bounds = array<i64: 1, 64>}, {transform_indices = @transform_6, window_bounds = array<i64: 400, 64>}]} {
    %get3A = arith.constant 0 : index
    %get3A_0 = arith.constant 0 : index
    %get3A_1 = vector.load %arg2[%get3A, %get3A_0] : memref<400x64xf32, #tpu.memory_space<vmem>>, vector<400x64xf32>
    %get3A_2 = arith.constant 0 : index
    %get3A_3 = arith.constant 0 : index
    %get3A_4 = arith.constant 0 : index
    %get3A_5 = vector.load %arg3[%get3A_2, %get3A_3, %get3A_4] : memref<2x400x64xf32, #tpu.memory_space<vmem>>, vector<1x400x64xf32>
    %get3A_6 = vector.shape_cast %get3A_5 : vector<1x400x64xf32> to vector<400x64xf32>
    %get3A_7 = arith.constant 1 : index
    %get3A_8 = arith.constant 0 : index
    %get3A_9 = arith.constant 0 : index
    %get3A_10 = vector.load %arg3[%get3A_7, %get3A_8, %get3A_9] : memref<2x400x64xf32, #tpu.memory_space<vmem>>, vector<1x400x64xf32>
    %get3A_11 = vector.shape_cast %get3A_10 : vector<1x400x64xf32> to vector<400x64xf32>
    %add3A = arith.addf %get3A_6, %get3A_11 : vector<400x64xf32>
    %get3A_12 = arith.constant 0 : index
    %get3A_13 = arith.constant 0 : index
    %get3A_14 = vector.load %arg4[%get3A_12, %get3A_13] : memref<400x1xf32, #tpu.memory_space<vmem>>, vector<400x1xf32>
    %mul3A = vector.broadcast %get3A_14 : vector<400x1xf32> to vector<400x64xf32>
    %mul3A_15 = arith.mulf %add3A, %mul3A : vector<400x64xf32>
    %sub3A = arith.subf %get3A_1, %mul3A_15 : vector<400x64xf32>
    %get3A_16 = arith.constant 0 : index
    %get3A_17 = arith.constant 0 : index
    %get3A_18 = vector.load %arg1[%get3A_16, %get3A_17] : memref<400x64xf32, #tpu.memory_space<vmem>>, vector<400x64xf32>
    %get3A_19 = arith.constant 0 : index
    %get3A_20 = arith.constant 0 : index
    %get3A_21 = vector.load %arg5[%get3A_19, %get3A_20] : memref<192x64xf32, #tpu.memory_space<vmem>>, vector<64x64xf32>
    %dot_general3A = arith.constant dense<0.000000e+00> : vector<400x64xf32>
    %dot_general3A_22 = tpu.matmul %get3A_18, %get3A_21, %dot_general3A {dimension_numbers = #tpu.dot_dimension_numbers<[1], [0], [0], [1], [0, 0, 1, 1], [], []>, transpose_lhs_hint = false} : vector<400x64xf32>, vector<64x64xf32>, vector<400x64xf32> -> vector<400x64xf32>
    %get3A_23 = arith.constant 0 : index
    %get3A_24 = arith.constant 0 : index
    %get3A_25 = vector.load %arg2[%get3A_23, %get3A_24] : memref<400x64xf32, #tpu.memory_space<vmem>>, vector<400x64xf32>
    %get3A_26 = arith.constant 64 : index
    %get3A_27 = arith.constant 0 : index
    %get3A_28 = vector.load %arg5[%get3A_26, %get3A_27] : memref<192x64xf32, #tpu.memory_space<vmem>>, vector<64x64xf32>
    %dot_general3A_29 = arith.constant dense<0.000000e+00> : vector<400x64xf32>
    %dot_general3A_30 = tpu.matmul %get3A_25, %get3A_28, %dot_general3A_29 {dimension_numbers = #tpu.dot_dimension_numbers<[1], [0], [0], [1], [0, 0, 1, 1], [], []>, transpose_lhs_hint = false} : vector<400x64xf32>, vector<64x64xf32>, vector<400x64xf32> -> vector<400x64xf32>
    %add3A_31 = arith.addf %dot_general3A_22, %dot_general3A_30 : vector<400x64xf32>
    %get3A_32 = arith.constant 128 : index
    %get3A_33 = arith.constant 0 : index
    %get3A_34 = vector.load %arg5[%get3A_32, %get3A_33] : memref<192x64xf32, #tpu.memory_space<vmem>>, vector<64x64xf32>
    %dot_general3A_35 = arith.constant dense<0.000000e+00> : vector<400x64xf32>
    %dot_general3A_36 = tpu.matmul %sub3A, %get3A_34, %dot_general3A_35 {dimension_numbers = #tpu.dot_dimension_numbers<[1], [0], [0], [1], [0, 0, 1, 1], [], []>, transpose_lhs_hint = false} : vector<400x64xf32>, vector<64x64xf32>, vector<400x64xf32> -> vector<400x64xf32>
    %add3A_37 = arith.addf %add3A_31, %dot_general3A_36 : vector<400x64xf32>
    %get3A_38 = arith.constant 0 : index
    %get3A_39 = arith.constant 0 : index
    %get3A_40 = vector.load %arg6[%get3A_38, %get3A_39] : memref<1x64xf32, #tpu.memory_space<vmem>>, vector<1x64xf32>
    %add3A_41 = vector.broadcast %get3A_40 : vector<1x64xf32> to vector<400x64xf32>
    %add3A_42 = arith.addf %add3A_37, %add3A_41 : vector<400x64xf32>
    %swap3A = arith.constant 0 : index
    %swap3A_43 = arith.constant 0 : index
    %swap3A_44 = vector.load %arg7[%swap3A, %swap3A_43] : memref<400x64xf32, #tpu.memory_space<vmem>>, vector<400x64xf32>
    tpu.vector_store %arg7[%swap3A, %swap3A_43], %add3A_42 {strides = array<i32>} : memref<400x64xf32, #tpu.memory_space<vmem>>, vector<400x64xf32>,
    return
  }
  func.func @transform_0(%arg0: i32) -> (i32, i32) {
    %c0_i32 = arith.constant 0 : i32
    %c0_i32_0 = arith.constant 0 : i32
    return %arg0, %c0_i32 : i32, i32
  }
  func.func @transform_1(%arg0: i32) -> (i32, i32) {
    %c0_i32 = arith.constant 0 : i32
    %c0_i32_0 = arith.constant 0 : i32
    return %arg0, %c0_i32 : i32, i32
  }
  func.func @transform_2(%arg0: i32) -> (i32, i32, i32) {
    %c0_i32 = arith.constant 0 : i32
    %c0_i32_0 = arith.constant 0 : i32
    %c0_i32_1 = arith.constant 0 : i32
    return %c0_i32, %arg0, %c0_i32_0 : i32, i32, i32
  }
  func.func @transform_3(%arg0: i32) -> (i32, i32) {
    %c0_i32 = arith.constant 0 : i32
    %c0_i32_0 = arith.constant 0 : i32
    return %arg0, %c0_i32 : i32, i32
  }
  func.func @transform_4(%arg0: i32) -> (i32, i32) {
    %c0_i32 = arith.constant 0 : i32
    %c0_i32_0 = arith.constant 0 : i32
    %c0_i32_1 = arith.constant 0 : i32
    return %c0_i32, %c0_i32_0 : i32, i32
  }
  func.func @transform_5(%arg0: i32) -> (i32, i32) {
    %c0_i32 = arith.constant 0 : i32
    %c0_i32_0 = arith.constant 0 : i32
    %c0_i32_1 = arith.constant 0 : i32
    return %c0_i32, %c0_i32_0 : i32, i32
  }
  func.func @transform_6(%arg0: i32) -> (i32, i32) {
    %c0_i32 = arith.constant 0 : i32
    %c0_i32_0 = arith.constant 0 : i32
    return %arg0, %c0_i32 : i32, i32
  }
}

</mosaic_0001>

<sc_bundles>
// kernel: kernel.11.cloned.1.call-start
scs
__scs_entry_jumppad:
0x0: {  	(pc) =	sbr.rel $0x88, $3  }
0x1: {  	(tag) =	ssettag $0x0;
	lr =	simm.s32 $0x1  }
0x2: {  	[smem:$0x3F9B] =	sst lr;
	_ =	strace $0xD0000000  }
0x3: {  	_ = 	snop  }
0x4: {  	_ = 	snop  }
0x5: {  	_ = 	snop  }
0x6: {  	_ = 	snop  }
0x7: {  	_ = 	snop  }
__scs_overlays_trampoline_lowered:
0x8: {  	[smem:$0x3FAA] =	sst s0  }
0x9: {  	[smem:$0x3FAB] =	sst s1  }
0xa: {  	[smem:$0x3FAC] =	sst s2  }
0xb: {  	[smem:$0x3FAD] =	sst s3  }
0xc: {  	[smem:$0x3FAE] =	sst s4  }
0xd: {  	[smem:$0x3FAF] =	sst s5  }
0xe: {  	[smem:$0x3FB0] =	sst s6  }
0xf: {  	[smem:$0x3FB1] =	sst s7  }
0x10: {  	[smem:$0x3FB2] =	sst s8  }
0x11: {  	[smem:$0x3FB3] =	sst s9;
	s0 =	simm.s32 @!p0 $0x0  }
0x12: {  	s1 =	sld [smem:$0x3F99];
	s0 =	simm.s32 @p0 $0x1  }
0x13: {  	[smem:$0x3FB4] =	sst s0;
	s0 =	simm.s32 @!p1 $0x0  }
0x14: {  	s2 =	sld [smem:$0x3F98];
	s0 =	simm.s32 @p1 $0x1  }
0x15: {  	[smem:$0x3FB5] =	sst s0;
	s0 =	simm.s32 @!p2 $0x0  }
0x16: {  	s3 =	sld [smem:$0x3FDB];
	s0 =	simm.s32 @p2 $0x1  }
0x17: {  	s4 =	simm.s32 $0x1BF5;
	[smem:$0x3FB7] =	sst s0  }
0x18: {  	s0 =	sld [smem:$0x3F9A];
	_ =	swait.ge [sflag:s4], $0x0  }
0x19: {  	s7 =	sld [smem:$0x3F9B]  }
0x1a: {  	s8 =	sadd.s32 $0xFFFFE003, lr  }
0x1b: {  	s9 =	sadd.s32 $0xFFFFFEF7, lr;
	s5 =	simm.s32 $0xFFFFFFFF;
	p2 =	slt.u32 s8, $0xFFFFF086  }
0x1c: {  	p1 =	slt.u32 s9, $0xF7A;
	s5 =	simm.s32 @!p2 $0x0  }
0x1d: {  	s5 =	simm.s32 @p1 $0x1;
	p0 =	seq.s32 s7, s2  }
0x1e: {  	s7 =	smul.u32 @!p0 $0xF7A, s2;
	p2 =	seq.s32 @!p0 s5, $0x0  }
0x1f: {  	s9 =	smul.u32 $0xF7A, s1;
	s8 =	simm.s32 @!p0 $0x1BF5;
	p2 =	por !p2, p0  }
0x20: {  	[sflag:s8] =	ssyncset.s32 @!p0 $0xFFFFF086;
	s6 =	sadd.s32 @!p0 s3, s7;
	s7 =	simm.s32 @!p0 $0x108  }
0x21: {  	s3 =	sadd.s32 s3, s9;
	s6 =	sadd.s32 @!p0 $0x88, s6;
	s7 =	simm.s32 @p2 $0x1082  }
0x22: {  	[simem:s7], [sflag:s8] =	dma.local @!p0 [hbm:s6], $0xF7A  }
0x23: {  	s9 =	sor.u32 $0xD0000000, s2;
	s6 =	simm.s32 $0x108;
	_ =	swait.ge @!p0 [sflag:s8], $0x0  }
0x24: {  	s3 =	sadd.s32 $0x88, s3;
	s6 =	simm.s32 @!p1 $0x1082;
	[sflag:s4] =	ssyncset.s32 $0xFFFFF086  }
0x25: {  	[simem:s6], [sflag:s4] =	dma.local [hbm:s3], $0xF7A  }
0x26: {  	[smem:$0x3F9B] =	sst s1;
	(tag) =	ssettag s2;
	_ =	strace s9  }
0x27: {  	s1 =	sld [smem:$0x3FAB]  }
0x28: {  	s2 =	sld [smem:$0x3FAC]  }
0x29: {  	s4 =	sld [smem:$0x3FAE]  }
0x2a: {  	p0 =	seq.s32 s5, $0x0;
	s5 =	sld [smem:$0x3FAF]  }
0x2b: {  	s6 =	sld [smem:$0x3FB0]  }
0x2c: {  	s7 =	sld [smem:$0x3FB1]  }
0x2d: {  	s3 =	simm.s32 $0x108;
	s8 =	sld [smem:$0x3FB2]  }
0x2e: {  	s3 =	simm.s32 @!p0 $0x1082;
	s9 =	sld [smem:$0x3FB3]  }
0x2f: {  	lr =	sadd.s32 s0, s3;
	s0 =	sld [smem:$0x3FAA]  }
0x30: {  	s3 =	sld [smem:$0x3FAD]  }
0x31: {  	[smem:$0x3FB6] =	sst s10  }
0x32: {  	s10 =	sld [smem:$0x3FB4];
	_ =	sdelay $0x3  }
0x33: {  	p0 =	seq.s32 s10, $0x1;
	s10 =	sld [smem:$0x3FB6];
	_ =	sdelay $0x3  }
0x34: {  	[smem:$0x3FB6] =	sst s10  }
0x35: {  	s10 =	sld [smem:$0x3FB5];
	_ =	sdelay $0x3  }
0x36: {  	p1 =	seq.s32 s10, $0x1;
	s10 =	sld [smem:$0x3FB6];
	_ =	sdelay $0x3  }
0x37: {  	[smem:$0x3FB6] =	sst s10  }
0x38: {  	s10 =	sld [smem:$0x3FB7]  }
0x39: {  	_ = 	snop;
	(pc) =	sbr.ind lr, $3  }
0x3a: {  	_ = 	snop  }
0x3b: {  	_ = 	snop  }
0x3c: {  	p2 =	seq.s32 s10, $0x1;
	s10 =	sld [smem:$0x3FB6]  }
0x3d: {  	_ =	shalt  }
0x3e: {  	_ =	shalt  }
0x3f: {  	_ =	shalt  }
0x40: {  	_ =	shalt  }
0x41: {  	_ =	shalt  }
0x42: {  	_ =	shalt  }
0x43: {  	_ =	shalt  }
0x44: {  	_ =	shalt  }
0x45: {  	_ =	shalt  }
0x46: {  	_ =	shalt  }
0x47: {  	_ =	shalt  }
0x48: {  	_ =	shalt  }
0x49: {  	_ =	shalt  }
0x4a: {  	_ =	shalt  }
0x4b: {  	_ =	shalt  }
0x4c: {  	_ =	shalt  }
0x4d: {  	_ =	shalt  }
0x4e: {  	_ =	shalt  }
0x4f: {  	_ =	shalt  }
0x50: {  	_ =	shalt  }
0x51: {  	_ =	shalt  }
0x52: {  	_ =	shalt  }
0x53: {  	_ =	shalt  }
0x54: {  	_ =	shalt  }
0x55: {  	_ =	shalt  }
0x56: {  	_ =	shalt  }
0x57: {  	_ =	shalt  }
0x58: {  	_ =	shalt  }
0x59: {  	_ =	shalt  }
0x5a: {  	_ =	shalt  }
0x5b: {  	_ =	shalt  }
0x5c: {  	_ =	shalt  }
0x5d: {  	_ =	shalt  }
0x5e: {  	_ =	shalt  }
0x5f: {  	_ =	shalt  }
0x60: {  	_ =	shalt  }
0x61: {  	_ =	shalt  }
0x62: {  	_ =	shalt  }
0x63: {  	_ =	shalt  }
0x64: {  	_ =	shalt  }
0x65: {  	_ =	shalt  }
0x66: {  	_ =	shalt  }
0x67: {  	_ =	shalt  }
0x68: {  	_ =	shalt  }
0x69: {  	_ =	shalt  }
0x6a: {  	_ =	shalt  }
0x6b: {  	_ =	shalt  }
0x6c: {  	_ =	shalt  }
0x6d: {  	_ =	shalt  }
0x6e: {  	_ =	shalt  }
0x6f: {  	_ =	shalt  }
0x70: {  	_ =	shalt  }
0x71: {  	_ =	shalt  }
0x72: {  	_ =	shalt  }
0x73: {  	_ =	shalt  }
0x74: {  	_ =	shalt  }
0x75: {  	_ =	shalt  }
0x76: {  	_ =	shalt  }
0x77: {  	_ =	shalt  }
0x78: {  	_ =	shalt  }
0x79: {  	_ =	shalt  }
0x7a: {  	_ =	shalt  }
0x7b: {  	_ =	shalt  }
0x7c: {  	_ =	shalt  }
0x7d: {  	_ =	shalt  }
0x7e: {  	_ =	shalt  }
0x7f: {  	_ =	shalt  }
0x80: {  	_ =	shalt  }
0x81: {  	_ =	shalt  }
0x82: {  	_ =	shalt  }
0x83: {  	_ =	shalt  }
0x84: {  	_ =	shalt  }
0x85: {  	_ =	shalt  }
0x86: {  	_ =	shalt  }
0x87: {  	_ =	shalt  }
.Lfunc_end0:
.L_simem_size_0:
called_computation.1_lowered:
.L_overlay_start_0:
0x88: {  	s2 =	sld [smem:$0x3FD9]  }
0x89: {  	s3 =	sld [smem:$0x3FFE];
	_ =	sdelay $0x1  }
0x8a: {  	s1 =	srdreg.scid  }
0x8b: {  	s0 =	sand.u32 $0x1, s1  }
0x8c: {  	s17 =	sshll.u32 s0, $0xA;
	s2 =	sadd.s32 s3, s2  }
0x8d: {  	s2 =	sadd.s32 s2, s17  }
0x8e: {  	[smem:$0x3FC2] =	sst s2  }
0x8f: {  	_ = 	snop  }
0x90: {  	s2 =	sld [smem:$0x3FD0];
	(tm) =	ssettm $0x1  }
0x91: {  	s18 =	sld [smem:$0x3FFB];
	_ =	sdelay $0x3  }
0x92: {  	_ =	strace s18  }
0x93: {  	s3 =	sld [smem:$0x3FFC];
	_ =	sdelay $0x3  }
0x94: {  	_ =	strace s3  }
0x95: {  	s3 =	sld [smem:$0x3FFD];
	_ =	sdelay $0x3  }
0x96: {  	_ =	strace s3  }
0x97: {  	_ =	strace $0x8FFFFFFF  }
0x98: {  	s19 =	sld [smem:$0x3FDB];
	_ =	sdelay $0x1  }
0x99: {  	s4 =	simm.s32 $_scs_section_size  }
0x9a: {  	s5 =	simm.s32 $_size__tile_overlayer_lowered;
	s6 =	simm.s32 $_tile_overlayer_lowered  }
0x9b: {  	s22 =	simm.s32 $0x1BFF;
	s21 =	sshll.u32 s6, $0x1;
	s3 =	sadd.s32 s4, s19  }
0x9c: {  	s7 =	simm.s32 $0x0;
	s20 =	sshll.u32 s5, $0x1;
	s5 =	sadd.s32 s21, s3  }
0x9d: {  	[timem:s7], [sflag:s22] =	dma.local [hbm:s5], s20  }
0x9e: {  	_ =	swait.ge [sflag:s22], s20  }
0x9f: {  	s4 =	ssub.s32 $0x0, s20;
	[sflag:s22] =	ssyncset.done $0x0  }
0xa0: {  	[sflag:s22] =	ssyncadd.s32 s4;
	_ =	sdelay $0x1  }
0xa1: {  	s23 =	simm.s32 $0x1B8B  }
0xa2: {  	_ =	swait.ge [sflag:s23], $0x1  }
0xa3: {  	[sflag:s23] =	ssyncset.done $0x0  }
0xa4: {  	s25 =	simm.s32 $0x1B8E;
	s24 =	sld [smem:$0x3FFE];
	[sflag:s23] =	ssyncadd.s32 $0xFFFFFFFF  }
0xa5: {  	s26 =	simm.s32 $execute0_lowered;
	[smem:$0x3FD2] =	sst s25  }
0xa6: {  	s5 =	sshll.u32 s26, $0x1;
	_ =	strace $0x80000049;
	[dreg:$0x1] =	wrdreg $0xFFFFFFFF  }
0xa7: {  	s28 =	simm.s32 $_size_execute0_lowered;
	s3 =	sadd.s32 s3, s5;
	[dreg:$0x0] =	wrdreg $0x0  }
0xa8: {  	s5 =	sshll.u32 s28, $0x1;
	[dreg:$0x2] =	wrdreg s3  }
0xa9: {  	[dreg:$0x3] =	wrdreg s5  }
0xaa: {  	[dreg:$0x4] =	wrdreg $0xC0  }
0xab: {  	_ =	task [dreg:s7], $0x5FFFF  }
0xac: {  	[dreg:$0x1] =	wrdreg $0xFFFFFFFF  }
0xad: {  	[dreg:$0x0] =	wrdreg $0x60  }
0xae: {  	[dreg:$0x2] =	wrdreg s2  }
0xaf: {  	[dreg:$0x3] =	wrdreg s24  }
0xb0: {  	[dreg:$0x4] =	wrdreg $0x45200  }
0xb1: {  	[dreg:$0x5] =	wrdreg $0x9  }
0xb2: {  	_ =	task.clear_ibuf [dreg:s7], $0x6FFFF;
	_ =	strace $0x90000049  }
0xb3: {  	s29 =	simm.s32 $0x9;
	_ =	strace $0x8000004B  }
0xb4: {  	_ =	swait.ge [sflag:s29], $0x1  }
0xb5: {  	[sflag:s29] =	ssyncadd.s32 $0xFFFFFFFF  }
0xb6: {  	_ =	strace $0x9000004B  }
0xb7: {  	_ =	sfence  }
0xb8: {  	s30 =	sld [smem:$0x0];
	_ =	sdelay $0x2  }
0xb9: {  	s31 =	sshll.u32 s1, $0xD;
	s1 =	sshrl.u32 s1, $0x2  }
0xba: {  	s3 =	sand.u32 $0x4000, s31;
	s1 =	sadd.s32 s1, s30  }
0xbb: {  	s0 =	sor.u32 s3, s0;
	s1 =	sshll.u32 s1, $0x11  }
0xbc: {  	s0 =	sor.u32 s1, s0  }
0xbd: {  	s0 =	sadd.s32 $0x8F2B, s0  }
0xbe: {  	[sflag:s0] =	ssyncadd.remote.s32 $0x1  }
0xbf: {  	_ =	sfence.sel $0xFFFF  }
0xc0: {  	[dreg:$0x0] =	wrdreg $0xFFFFFFFF;
	(pc) =	sbr.abs _section_cstart, $3  }
0xc1: {  	[dreg:$0x1] =	wrdreg $0xFFFFFFFF  }
0xc2: {  	_ =	task.clear_ibuf [dreg:s7], $0x2FFFF;
	_ =	strace $0x9FFFFFFF  }
0xc3: {  	(tm) =	ssettm $0x7FFFFFFF  }
tec
execute0_lowered:
.L_overlay_start_1:
0x0: {  	(tag) =	ssettag $0x1  }
0x1: {  	s1 =	rddreg [dreg:$0x0]  }
0x2: {  	s5 =	rddreg [dreg:$0x1]  }
0x3: {  	s2 =	rddreg [dreg:$0x2];
	s3 =	srdreg.scid;
	s4 =	simm.s32 $0x0  }
0x4: {  	s17 =	simm.s32 $0x2;
	s18 =	simm.s32 $0x80;
	s19 =	simm.s32 $0x120  }
0x5: {  	s20 =	simm.s32 $0x1;
	s21 =	simm.s32 $0x100;
	s22 =	simm.s32 $0x10  }
0x6: {  	s23 =	simm.s32 $0x2120;
	s24 =	simm.s32 $0x110;
	s6 =	sand.u32 $0x1, s3  }
0x7: {  	s26 =	simm.s32 $0x0;
	s3 =	stileid.u32;
	s7 =	smul.u32 $0xA0000, s6  }
0x8: {  	[smem:$0x7FF] =	sst s4;
	s15 =	sadd.s32 $0x1C00, s5;
	s9 =	smul.u32 $0xA000, s3  }
0x9: {  	s14 =	sadd.s32 $0xBA00, s5;
	_ =	strace $0x8000004A;
	s11 =	smul.u32 $0x28000, s3  }
0xa: {  	s8 =	sshll.u32 s6, $0x4;
	s10 =	ssub.s32 $0x2, s6;
	s30 =	smul.u32 $0x27100, s6  }
0xb: {  	s31 =	smul.u32 $0x2710, s3;
	s8 =	sor.u32 s3, s8;
	s12 =	sshrl.u32 s10, $0x1  }
0xc: {  	s7 =	sadd.s32 s9, s7;
	s8 =	smul.u32 $0x2710, s8;
	s10 =	ssub.s32 s10, s12  }
0xd: {  	s28 =	sshrl.u32 s11, $0x2;
	s25 =	sadd.s32 s9, s2;
	s12 =	sadd.s32 s31, s30  }
0xe: {  	s7 =	sshrl.u32 s7, $0x3;
	s9 =	smax.u32 s10, $0x1;
	s16 =	sshrl.u32 s12, $0x3  }
0xf: {  	s25 =	sshrl.u32 s25, $0x3;
	s13 =	sadd.s32 s7, s5;
	s29 =	sshrl.u32 s8, $0x3  }
0x10: {  	s5 =	sadd.s32 s28, s2;
	s7 =	sadd.s32 $0x4E0, s29;
	s8 =	sadd.s32 $0x15800, s13  }
0x11: {  	s10 =	sadd.s32 $0x2000, s5;
	s11 =	sadd.s32 $0x4000, s5;
	s12 =	sadd.s32 $0x6000, s5  }
0x12: {  	s13 =	sadd.s32 $0x8000, s5;
	s6 =	sadd.s32 s15, s7;
	s7 =	sadd.s32 s14, s7  }
0x13: {  	v0 =	vimm.f32 $0.0e+00;
	s14 =	sadd.s32 s16, s14;
	s15 =	sadd.s32 s16, s15;
	s16 =	simm.s32 $0x2520  }
.LBB2_1:
0x14: {  	s28 =	sand.u32 $0x7F00, s4  }
0x15: {  	s29 =	sand.u32 $0x30, s4;
	s30 =	sshrl.u32 s28, $0x2  }
0x16: {  	s28 =	simm.s32 $0x40;
	s30 =	sor.u32 s29, s30;
	s29 =	simm.s32 $0x0  }
.LBB2_2:
0x17: {  	p0 =	sne.s32 s28, $0x7FC0  }
0x18: {  	[tilespmem:s30+$0x2520] =	vst v0;
	s29 =	sadd.s32 $0x10, s29;
	s30 =	smov.u32 s28;
	s28 =	sadd.s32 $0x40, s28  }
.Ltmp0:
0x19: {  	(pc) =	sbr.rel @p0 .LBB2_2-.Ltmp0, $4  }
0x1a: {  	_ = 	snop  }
0x1b: {  	s30 =	sand.u32 $0x7F00, s30  }
0x1c: {  	s31 =	sand.u32 $0x30, s29;
	s30 =	sshrl.u32 s30, $0x2  }
0x1d: {  	s30 =	sor.u32 s31, s30  }
0x1e: {  	[tilespmem:s30+$0x2520] =	vst v0  }
0x1f: {  	[spmem:s5] =	stream.linear.scatter [tilespmem:s16], [sflag:$0x2], $0x2000, $0x38;
	[tilespmem:$0xE520] =	vst v63  }
0x20: {  	_ =	swait.ge [sflag:s17], $0x2000  }
0x21: {  	[sflag:s17] =	ssyncset.done $0x0  }
0x22: {  	[sflag:s17] =	ssyncadd.s32 $0xFFFFE000  }
0x23: {  	[spmem:s10] =	stream.linear.scatter [tilespmem:s16], [sflag:$0x2], $0x2000, $0x38;
	[tilespmem:$0xE520] =	vst v63  }
0x24: {  	_ =	swait.ge [sflag:s17], $0x2000  }
0x25: {  	[sflag:s17] =	ssyncset.done $0x0  }
0x26: {  	[sflag:s17] =	ssyncadd.s32 $0xFFFFE000  }
0x27: {  	[spmem:s11] =	stream.linear.scatter [tilespmem:s16], [sflag:$0x2], $0x2000, $0x38;
	[tilespmem:$0xE520] =	vst v63  }
0x28: {  	_ =	swait.ge [sflag:s17], $0x2000  }
0x29: {  	[sflag:s17] =	ssyncset.done $0x0  }
0x2a: {  	[sflag:s17] =	ssyncadd.s32 $0xFFFFE000  }
0x2b: {  	[spmem:s12] =	stream.linear.scatter [tilespmem:s16], [sflag:$0x2], $0x2000, $0x38;
	[tilespmem:$0xE520] =	vst v63  }
0x2c: {  	_ =	swait.ge [sflag:s17], $0x2000  }
0x2d: {  	[sflag:s17] =	ssyncset.done $0x0  }
0x2e: {  	[sflag:s17] =	ssyncadd.s32 $0xFFFFE000  }
0x2f: {  	[spmem:s13] =	stream.linear.scatter [tilespmem:s16], [sflag:$0x2], $0x2000, $0x38;
	[tilespmem:$0xE520] =	vst v63  }
0x30: {  	_ =	swait.ge [sflag:s17], $0x2000  }
0x31: {  	[sflag:s17] =	ssyncset.done $0x0  }
0x32: {  	[sflag:s17] =	ssyncadd.s32 $0xFFFFE000  }
0x33: {  	s28 =	sadd.s32 $0x0, s15;
	[bflag:$0x0] =	sbarrier.arrive $0xFFFF  }
0x34: {  	[tilespmem:s4], [sflag:$0x2] =	stream.linear.gather [hbm4b:s28+s4], $0x80, $0x38;
	[tilespmem:$0xE520] =	vst v63  }
0x35: {  	_ =	swait.ge [sflag:s17], $0x80  }
0x36: {  	[sflag:s17] =	ssyncset.done $0x0  }
0x37: {  	[sflag:s17] =	ssyncadd.s32 $0xFFFFFF80  }
0x38: {  	[tilespmem:s19], [sflag:$0x1] =	stream.indirect.gather [hbm4b:s1+s18], $0x40, s4, s18, $0xb8;
	[tilespmem:$0xE520] =	vst v63  }
0x39: {  	_ =	swait.ge [sflag:s20], $0x2000  }
0x3a: {  	[sflag:s20] =	ssyncset.done $0x0  }
0x3b: {  	s28 =	sadd.s32 $0x0, s14;
	[sflag:s20] =	ssyncadd.s32 $0xFFFFE000  }
0x3c: {  	[tilespmem:s18], [sflag:$0x2] =	stream.linear.gather [hbm4b:s28+s4], $0x80, $0x38;
	[tilespmem:$0xE520] =	vst v63  }
0x3d: {  	_ =	swait.ge [sflag:s17], $0x80  }
0x3e: {  	[sflag:s17] =	ssyncset.done $0x0  }
0x3f: {  	[sflag:s17] =	ssyncadd.s32 $0xFFFFFF80  }
0x40: {  	[spmem:s2] =	stream.indirect.scatter.add.f32 [tilespmem:s19], [sflag:$0x2], $0x40, s18, s18, $0xb8;
	[tilespmem:$0xE520] =	vst v63  }
0x41: {  	_ =	swait.ge [sflag:s17], $0x2000  }
0x42: {  	s29 =	simm.s32 $0x20;
	s28 =	simm.s32 $0x10;
	[sflag:s17] =	ssyncset.done $0x0  }
.LBB2_4:
0x43: {  	s30 =	sadd.s32 s28, s15  }
0x44: {  	[sflag:s17] =	ssyncadd.s32 $0xFFFFE000;
	s31 =	smov.u32 s29;
	s0 =	sadd.s32 $0x10, s29  }
0x45: {  	[tilespmem:s4], [sflag:$0x2] =	stream.linear.gather [hbm4b:s30+s4], $0x80, $0x38;
	[tilespmem:$0xE520] =	vst v63  }
0x46: {  	p0 =	sne.s32 s29, $0x4D0;
	_ =	swait.ge [sflag:s17], $0x80  }
0x47: {  	[sflag:s17] =	ssyncset.done $0x0  }
0x48: {  	[sflag:s17] =	ssyncadd.s32 $0xFFFFFF80  }
0x49: {  	[tilespmem:s19], [sflag:$0x1] =	stream.indirect.gather [hbm4b:s1+s18], $0x40, s4, s18, $0xb8;
	[tilespmem:$0xE520] =	vst v63  }
0x4a: {  	_ =	swait.ge [sflag:s20], $0x2000  }
0x4b: {  	[sflag:s20] =	ssyncset.done $0x0  }
0x4c: {  	s29 =	sadd.s32 s28, s14;
	s28 =	smov.u32 s31;
	[sflag:s20] =	ssyncadd.s32 $0xFFFFE000  }
0x4d: {  	[tilespmem:s18], [sflag:$0x2] =	stream.linear.gather [hbm4b:s29+s4], $0x80, $0x38;
	[tilespmem:$0xE520] =	vst v63  }
0x4e: {  	_ =	swait.ge [sflag:s17], $0x80  }
.Ltmp1:
0x4f: {  	[sflag:s17] =	ssyncset.done $0x0;
	(pc) =	sbr.rel @p0 .LBB2_4-.Ltmp1, $4  }
0x50: {  	[sflag:s17] =	ssyncadd.s32 $0xFFFFFF80  }
0x51: {  	[spmem:s2] =	stream.indirect.scatter.add.f32 [tilespmem:s19], [sflag:$0x2], $0x40, s18, s18, $0xb8;
	[tilespmem:$0xE520] =	vst v63  }
0x52: {  	_ =	swait.ge [sflag:s17], $0x2000  }
0x53: {  	s29 =	smov.u32 s0;
	[sflag:s17] =	ssyncset.done $0x0  }
0x54: {  	s0 =	sadd.s32 s28, s15;
	[sflag:s17] =	ssyncadd.s32 $0xFFFFE000  }
0x55: {  	[tilespmem:s4], [sflag:$0x2] =	stream.linear.gather [hbm4b:s0+s4], $0x80, $0x38;
	[tilespmem:$0xE520] =	vst v63  }
0x56: {  	_ =	swait.ge [sflag:s17], $0x80  }
0x57: {  	[sflag:s17] =	ssyncset.done $0x0  }
0x58: {  	[sflag:s17] =	ssyncadd.s32 $0xFFFFFF80  }
0x59: {  	[tilespmem:s19], [sflag:$0x1] =	stream.indirect.gather [hbm4b:s1+s18], $0x40, s4, s18, $0xb8;
	[tilespmem:$0xE520] =	vst v63  }
0x5a: {  	_ =	swait.ge [sflag:s20], $0x2000  }
0x5b: {  	[sflag:s20] =	ssyncset.done $0x0  }
0x5c: {  	s30 =	sadd.s32 s28, s14;
	[sflag:s20] =	ssyncadd.s32 $0xFFFFE000  }
0x5d: {  	[tilespmem:s18], [sflag:$0x2] =	stream.linear.gather [hbm4b:s30+s4], $0x80, $0x38;
	[tilespmem:$0xE520] =	vst v63  }
0x5e: {  	_ =	swait.ge [sflag:s17], $0x80  }
0x5f: {  	[sflag:s17] =	ssyncset.done $0x0  }
0x60: {  	[sflag:s17] =	ssyncadd.s32 $0xFFFFFF80  }
0x61: {  	[spmem:s2] =	stream.indirect.scatter.add.f32 [tilespmem:s19], [sflag:$0x2], $0x40, s18, s18, $0xb8;
	[tilespmem:$0xE520] =	vst v63  }
0x62: {  	_ =	swait.ge [sflag:s17], $0x2000  }
0x63: {  	[sflag:s17] =	ssyncset.done $0x0  }
0x64: {  	[sflag:s17] =	ssyncadd.s32 $0xFFFFE000  }
0x65: {  	[tilespmem:s21], [sflag:$0x2] =	stream.linear.gather [hbm4b:s6+s4], $0x10, $0x38;
	[tilespmem:$0xE520] =	vst v63  }
0x66: {  	_ =	swait.ge [sflag:s17], $0x10  }
0x67: {  	[sflag:s17] =	ssyncset.done $0x0  }
0x68: {  	[sflag:s17] =	ssyncadd.s32 $0xFFFFFFF0  }
0x69: {  	[tilespmem:s23], [sflag:$0x1] =	stream.indirect.gather [hbm4b:s1+s22], $0x40, s21, s22, $0xb8;
	[tilespmem:$0xE520] =	vst v63  }
0x6a: {  	_ =	swait.ge [sflag:s20], $0x400  }
0x6b: {  	[sflag:s20] =	ssyncset.done $0x0  }
0x6c: {  	[sflag:s20] =	ssyncadd.s32 $0xFFFFFC00  }
0x6d: {  	[tilespmem:s24], [sflag:$0x2] =	stream.linear.gather [hbm4b:s7+s4], $0x10, $0x38;
	[tilespmem:$0xE520] =	vst v63  }
0x6e: {  	_ =	swait.ge [sflag:s17], $0x10  }
0x6f: {  	[sflag:s17] =	ssyncset.done $0x0  }
0x70: {  	[sflag:s17] =	ssyncadd.s32 $0xFFFFFFF0  }
0x71: {  	[spmem:s2] =	stream.indirect.scatter.add.f32 [tilespmem:s23], [sflag:$0x2], $0x40, s24, s22, $0xb8;
	[tilespmem:$0xE520] =	vst v63  }
0x72: {  	_ =	swait.ge [sflag:s17], $0x400  }
0x73: {  	s26 =	sadd.s32 $0x1, s26;
	[sflag:s17] =	ssyncset.done $0x0  }
0x74: {  	s31 =	sshll.u32 s3, $0x6;
	p0 =	sne.s32 s26, s9;
	[sflag:s17] =	ssyncadd.s32 $0xFFFFFC00  }
.Ltmp2:
0x75: {  	s0 =	sor.u32 $0x1C02, s31;
	[bflag:$0x0] =	sbarrier.arrive $0xFFFF;
	(pc) =	sbr.rel @p0 .LBB2_1-.Ltmp2, $4  }
0x76: {  	[hbm:s8], [sflag:s0] =	dma.local [spmem:s25], $0x1400  }
0x77: {  	_ =	swait.ge [sflag:s17], $0x1400  }
0x78: {  	[sflag:s17] =	ssyncset.done $0x0  }
0x79: {  	[sflag:s17] =	ssyncadd.s32 $0xFFFFEC00  }
0x7a: {  	_ =	sfence.sel $0x180000  }
0x7b: {  	[bflag:$0x0] =	sbarrier.arrive $0xFFFF  }
0x7c: {  	_ =	strace $0x9000004A  }
0x7d: {  	[bflag:$0x2] =	sbarrier.arrive $0xFFFF  }
0x7e: {  	p0 =	sne.s32 s3, $0x0;
	s0 =	rddreg [dreg:$0x3]  }
0x7f: {  	s0 =	sadd.s32 @!p0 $0x100000, s0  }
0x80: {  	[sflag:s0] =	ssyncadd.tile.s32 @!p0 $0x1;
	_ =	shalt  }
.Lfunc_end2:
_tile_overlayer_lowered:
.L_overlay_start_2:
0x81: {  	(tag) =	ssettag $0x2  }
0x82: {  	s0 =	rddreg [dreg:$0x0];
	s2 =	stileid.u32  }
0x83: {  	s1 =	rddreg [dreg:$0x1];
	p0 =	sne.s32 s2, $0x0  }
0x84: {  	s3 =	rddreg [dreg:$0x2];
	[bflag:$0x3] =	sbarrier.arrive $0xFFFF;
	s2 =	simm.s32 @!p0 $0x1C02  }
0x85: {  	[timem:s3], [sflag:s2] =	dma.local @!p0 [hbm:s0], s1  }
0x86: {  	s0 =	simm.s32 @!p0 $0x2  }
0x87: {  	_ =	swait.ge @!p0 [sflag:s0], s1  }
0x88: {  	s1 =	ssub.s32 @!p0 $0x0, s1;
	[sflag:s0] =	ssyncset.done @!p0 $0x0  }
0x89: {  	[sflag:s0] =	ssyncadd.s32 @!p0 s1  }
0x8a: {  	[bflag:$0x3] =	sbarrier.arrive $0xFFFF  }
0x8b: {  	_ =	shalt  }

// kernel: kernel.14.cloned.1.call-start
scs
__scs_entry_jumppad:
0x0: {  	(pc) =	sbr.rel $0x88, $3  }
0x1: {  	(tag) =	ssettag $0x0;
	lr =	simm.s32 $0x1  }
0x2: {  	[smem:$0x3F9B] =	sst lr;
	_ =	strace $0xD0000000  }
0x3: {  	_ = 	snop  }
0x4: {  	_ = 	snop  }
0x5: {  	_ = 	snop  }
0x6: {  	_ = 	snop  }
0x7: {  	_ = 	snop  }
__scs_overlays_trampoline_lowered:
0x8: {  	[smem:$0x3FAA] =	sst s0  }
0x9: {  	[smem:$0x3FAB] =	sst s1  }
0xa: {  	[smem:$0x3FAC] =	sst s2  }
0xb: {  	[smem:$0x3FAD] =	sst s3  }
0xc: {  	[smem:$0x3FAE] =	sst s4  }
0xd: {  	[smem:$0x3FAF] =	sst s5  }
0xe: {  	[smem:$0x3FB0] =	sst s6  }
0xf: {  	[smem:$0x3FB1] =	sst s7  }
0x10: {  	[smem:$0x3FB2] =	sst s8  }
0x11: {  	[smem:$0x3FB3] =	sst s9;
	s0 =	simm.s32 @!p0 $0x0  }
0x12: {  	s1 =	sld [smem:$0x3F99];
	s0 =	simm.s32 @p0 $0x1  }
0x13: {  	[smem:$0x3FB4] =	sst s0;
	s0 =	simm.s32 @!p1 $0x0  }
0x14: {  	s2 =	sld [smem:$0x3F98];
	s0 =	simm.s32 @p1 $0x1  }
0x15: {  	[smem:$0x3FB5] =	sst s0;
	s0 =	simm.s32 @!p2 $0x0  }
0x16: {  	s3 =	sld [smem:$0x3FDB];
	s0 =	simm.s32 @p2 $0x1  }
0x17: {  	s4 =	simm.s32 $0x1BF5;
	[smem:$0x3FB7] =	sst s0  }
0x18: {  	s0 =	sld [smem:$0x3F9A];
	_ =	swait.ge [sflag:s4], $0x0  }
0x19: {  	s7 =	sld [smem:$0x3F9B]  }
0x1a: {  	s8 =	sadd.s32 $0xFFFFE003, lr  }
0x1b: {  	s9 =	sadd.s32 $0xFFFFFEF7, lr;
	s5 =	simm.s32 $0xFFFFFFFF;
	p2 =	slt.u32 s8, $0xFFFFF086  }
0x1c: {  	p1 =	slt.u32 s9, $0xF7A;
	s5 =	simm.s32 @!p2 $0x0  }
0x1d: {  	s5 =	simm.s32 @p1 $0x1;
	p0 =	seq.s32 s7, s2  }
0x1e: {  	s7 =	smul.u32 @!p0 $0xF7A, s2;
	p2 =	seq.s32 @!p0 s5, $0x0  }
0x1f: {  	s9 =	smul.u32 $0xF7A, s1;
	s8 =	simm.s32 @!p0 $0x1BF5;
	p2 =	por !p2, p0  }
0x20: {  	[sflag:s8] =	ssyncset.s32 @!p0 $0xFFFFF086;
	s6 =	sadd.s32 @!p0 s3, s7;
	s7 =	simm.s32 @!p0 $0x108  }
0x21: {  	s3 =	sadd.s32 s3, s9;
	s6 =	sadd.s32 @!p0 $0x88, s6;
	s7 =	simm.s32 @p2 $0x1082  }
0x22: {  	[simem:s7], [sflag:s8] =	dma.local @!p0 [hbm:s6], $0xF7A  }
0x23: {  	s9 =	sor.u32 $0xD0000000, s2;
	s6 =	simm.s32 $0x108;
	_ =	swait.ge @!p0 [sflag:s8], $0x0  }
0x24: {  	s3 =	sadd.s32 $0x88, s3;
	s6 =	simm.s32 @!p1 $0x1082;
	[sflag:s4] =	ssyncset.s32 $0xFFFFF086  }
0x25: {  	[simem:s6], [sflag:s4] =	dma.local [hbm:s3], $0xF7A  }
0x26: {  	[smem:$0x3F9B] =	sst s1;
	(tag) =	ssettag s2;
	_ =	strace s9  }
0x27: {  	s1 =	sld [smem:$0x3FAB]  }
0x28: {  	s2 =	sld [smem:$0x3FAC]  }
0x29: {  	s4 =	sld [smem:$0x3FAE]  }
0x2a: {  	p0 =	seq.s32 s5, $0x0;
	s5 =	sld [smem:$0x3FAF]  }
0x2b: {  	s6 =	sld [smem:$0x3FB0]  }
0x2c: {  	s7 =	sld [smem:$0x3FB1]  }
0x2d: {  	s3 =	simm.s32 $0x108;
	s8 =	sld [smem:$0x3FB2]  }
0x2e: {  	s3 =	simm.s32 @!p0 $0x1082;
	s9 =	sld [smem:$0x3FB3]  }
0x2f: {  	lr =	sadd.s32 s0, s3;
	s0 =	sld [smem:$0x3FAA]  }
0x30: {  	s3 =	sld [smem:$0x3FAD]  }
0x31: {  	[smem:$0x3FB6] =	sst s10  }
0x32: {  	s10 =	sld [smem:$0x3FB4];
	_ =	sdelay $0x3  }
0x33: {  	p0 =	seq.s32 s10, $0x1;
	s10 =	sld [smem:$0x3FB6];
	_ =	sdelay $0x3  }
0x34: {  	[smem:$0x3FB6] =	sst s10  }
0x35: {  	s10 =	sld [smem:$0x3FB5];
	_ =	sdelay $0x3  }
0x36: {  	p1 =	seq.s32 s10, $0x1;
	s10 =	sld [smem:$0x3FB6];
	_ =	sdelay $0x3  }
0x37: {  	[smem:$0x3FB6] =	sst s10  }
0x38: {  	s10 =	sld [smem:$0x3FB7]  }
0x39: {  	_ = 	snop;
	(pc) =	sbr.ind lr, $3  }
0x3a: {  	_ = 	snop  }
0x3b: {  	_ = 	snop  }
0x3c: {  	p2 =	seq.s32 s10, $0x1;
	s10 =	sld [smem:$0x3FB6]  }
0x3d: {  	_ =	shalt  }
0x3e: {  	_ =	shalt  }
0x3f: {  	_ =	shalt  }
0x40: {  	_ =	shalt  }
0x41: {  	_ =	shalt  }
0x42: {  	_ =	shalt  }
0x43: {  	_ =	shalt  }
0x44: {  	_ =	shalt  }
0x45: {  	_ =	shalt  }
0x46: {  	_ =	shalt  }
0x47: {  	_ =	shalt  }
0x48: {  	_ =	shalt  }
0x49: {  	_ =	shalt  }
0x4a: {  	_ =	shalt  }
0x4b: {  	_ =	shalt  }
0x4c: {  	_ =	shalt  }
0x4d: {  	_ =	shalt  }
0x4e: {  	_ =	shalt  }
0x4f: {  	_ =	shalt  }
0x50: {  	_ =	shalt  }
0x51: {  	_ =	shalt  }
0x52: {  	_ =	shalt  }
0x53: {  	_ =	shalt  }
0x54: {  	_ =	shalt  }
0x55: {  	_ =	shalt  }
0x56: {  	_ =	shalt  }
0x57: {  	_ =	shalt  }
0x58: {  	_ =	shalt  }
0x59: {  	_ =	shalt  }
0x5a: {  	_ =	shalt  }
0x5b: {  	_ =	shalt  }
0x5c: {  	_ =	shalt  }
0x5d: {  	_ =	shalt  }
0x5e: {  	_ =	shalt  }
0x5f: {  	_ =	shalt  }
0x60: {  	_ =	shalt  }
0x61: {  	_ =	shalt  }
0x62: {  	_ =	shalt  }
0x63: {  	_ =	shalt  }
0x64: {  	_ =	shalt  }
0x65: {  	_ =	shalt  }
0x66: {  	_ =	shalt  }
0x67: {  	_ =	shalt  }
0x68: {  	_ =	shalt  }
0x69: {  	_ =	shalt  }
0x6a: {  	_ =	shalt  }
0x6b: {  	_ =	shalt  }
0x6c: {  	_ =	shalt  }
0x6d: {  	_ =	shalt  }
0x6e: {  	_ =	shalt  }
0x6f: {  	_ =	shalt  }
0x70: {  	_ =	shalt  }
0x71: {  	_ =	shalt  }
0x72: {  	_ =	shalt  }
0x73: {  	_ =	shalt  }
0x74: {  	_ =	shalt  }
0x75: {  	_ =	shalt  }
0x76: {  	_ =	shalt  }
0x77: {  	_ =	shalt  }
0x78: {  	_ =	shalt  }
0x79: {  	_ =	shalt  }
0x7a: {  	_ =	shalt  }
0x7b: {  	_ =	shalt  }
0x7c: {  	_ =	shalt  }
0x7d: {  	_ =	shalt  }
0x7e: {  	_ =	shalt  }
0x7f: {  	_ =	shalt  }
0x80: {  	_ =	shalt  }
0x81: {  	_ =	shalt  }
0x82: {  	_ =	shalt  }
0x83: {  	_ =	shalt  }
0x84: {  	_ =	shalt  }
0x85: {  	_ =	shalt  }
0x86: {  	_ =	shalt  }
0x87: {  	_ =	shalt  }
.Lfunc_end0:
.L_simem_size_0:
called_computation.2_lowered:
.L_overlay_start_0:
0x88: {  	s2 =	sld [smem:$0x3FD9]  }
0x89: {  	s3 =	sld [smem:$0x3FFE];
	_ =	sdelay $0x1  }
0x8a: {  	s1 =	srdreg.scid  }
0x8b: {  	s0 =	sand.u32 $0x1, s1  }
0x8c: {  	s17 =	sshll.u32 s0, $0xA;
	s2 =	sadd.s32 s3, s2  }
0x8d: {  	s2 =	sadd.s32 s2, s17  }
0x8e: {  	[smem:$0x3FC2] =	sst s2  }
0x8f: {  	_ = 	snop  }
0x90: {  	s2 =	sld [smem:$0x3FD0];
	(tm) =	ssettm $0x1  }
0x91: {  	s18 =	sld [smem:$0x3FFB];
	_ =	sdelay $0x3  }
0x92: {  	_ =	strace s18  }
0x93: {  	s3 =	sld [smem:$0x3FFC];
	_ =	sdelay $0x3  }
0x94: {  	_ =	strace s3  }
0x95: {  	s3 =	sld [smem:$0x3FFD];
	_ =	sdelay $0x3  }
0x96: {  	_ =	strace s3  }
0x97: {  	_ =	strace $0x8FFFFFFF  }
0x98: {  	s19 =	sld [smem:$0x3FDB];
	_ =	sdelay $0x1  }
0x99: {  	s4 =	simm.s32 $_scs_section_size  }
0x9a: {  	s5 =	simm.s32 $_size__tile_overlayer_lowered;
	s6 =	simm.s32 $_tile_overlayer_lowered  }
0x9b: {  	s22 =	simm.s32 $0x1BFF;
	s21 =	sshll.u32 s6, $0x1;
	s3 =	sadd.s32 s4, s19  }
0x9c: {  	s7 =	simm.s32 $0x0;
	s20 =	sshll.u32 s5, $0x1;
	s5 =	sadd.s32 s21, s3  }
0x9d: {  	[timem:s7], [sflag:s22] =	dma.local [hbm:s5], s20  }
0x9e: {  	_ =	swait.ge [sflag:s22], s20  }
0x9f: {  	s4 =	ssub.s32 $0x0, s20;
	[sflag:s22] =	ssyncset.done $0x0  }
0xa0: {  	[sflag:s22] =	ssyncadd.s32 s4;
	_ =	sdelay $0x1  }
0xa1: {  	s23 =	simm.s32 $0x1B8B  }
0xa2: {  	_ =	swait.ge [sflag:s23], $0x1  }
0xa3: {  	[sflag:s23] =	ssyncset.done $0x0  }
0xa4: {  	s25 =	simm.s32 $0x1B8E;
	s24 =	sld [smem:$0x3FFE];
	[sflag:s23] =	ssyncadd.s32 $0xFFFFFFFF  }
0xa5: {  	s26 =	simm.s32 $execute0_lowered;
	[smem:$0x3FD2] =	sst s25  }
0xa6: {  	s5 =	sshll.u32 s26, $0x1;
	_ =	strace $0x8000004C;
	[dreg:$0x1] =	wrdreg $0xFFFFFFFF  }
0xa7: {  	s28 =	simm.s32 $_size_execute0_lowered;
	s3 =	sadd.s32 s3, s5;
	[dreg:$0x0] =	wrdreg $0x0  }
0xa8: {  	s5 =	sshll.u32 s28, $0x1;
	[dreg:$0x2] =	wrdreg s3  }
0xa9: {  	[dreg:$0x3] =	wrdreg s5  }
0xaa: {  	[dreg:$0x4] =	wrdreg $0xC0  }
0xab: {  	_ =	task [dreg:s7], $0x5FFFF  }
0xac: {  	[dreg:$0x1] =	wrdreg $0xFFFFFFFF  }
0xad: {  	[dreg:$0x0] =	wrdreg $0x60  }
0xae: {  	[dreg:$0x2] =	wrdreg s2  }
0xaf: {  	[dreg:$0x3] =	wrdreg s24  }
0xb0: {  	[dreg:$0x4] =	wrdreg $0x45200  }
0xb1: {  	[dreg:$0x5] =	wrdreg $0x9  }
0xb2: {  	_ =	task.clear_ibuf [dreg:s7], $0x6FFFF;
	_ =	strace $0x9000004C  }
0xb3: {  	s29 =	simm.s32 $0x9;
	_ =	strace $0x8000004E  }
0xb4: {  	_ =	swait.ge [sflag:s29], $0x1  }
0xb5: {  	[sflag:s29] =	ssyncadd.s32 $0xFFFFFFFF  }
0xb6: {  	_ =	strace $0x9000004E  }
0xb7: {  	_ =	sfence  }
0xb8: {  	s30 =	sld [smem:$0x0];
	_ =	sdelay $0x2  }
0xb9: {  	s31 =	sshll.u32 s1, $0xD;
	s1 =	sshrl.u32 s1, $0x2  }
0xba: {  	s3 =	sand.u32 $0x4000, s31;
	s1 =	sadd.s32 s1, s30  }
0xbb: {  	s0 =	sor.u32 s3, s0;
	s1 =	sshll.u32 s1, $0x11  }
0xbc: {  	s0 =	sor.u32 s1, s0  }
0xbd: {  	s0 =	sadd.s32 $0x8F2B, s0  }
0xbe: {  	[sflag:s0] =	ssyncadd.remote.s32 $0x1  }
0xbf: {  	_ =	sfence.sel $0xFFFF  }
0xc0: {  	[dreg:$0x0] =	wrdreg $0xFFFFFFFF;
	(pc) =	sbr.abs _section_cstart, $3  }
0xc1: {  	[dreg:$0x1] =	wrdreg $0xFFFFFFFF  }
0xc2: {  	_ =	task.clear_ibuf [dreg:s7], $0x2FFFF;
	_ =	strace $0x9FFFFFFF  }
0xc3: {  	(tm) =	ssettm $0x7FFFFFFF  }
tec
execute0_lowered:
.L_overlay_start_1:
0x0: {  	(tag) =	ssettag $0x1  }
0x1: {  	s1 =	rddreg [dreg:$0x0]  }
0x2: {  	s5 =	rddreg [dreg:$0x1]  }
0x3: {  	s2 =	rddreg [dreg:$0x2];
	s3 =	srdreg.scid;
	s4 =	simm.s32 $0x0  }
0x4: {  	s17 =	simm.s32 $0x2;
	s18 =	simm.s32 $0x80;
	s19 =	simm.s32 $0x120  }
0x5: {  	s20 =	simm.s32 $0x1;
	s21 =	simm.s32 $0x100;
	s22 =	simm.s32 $0x10  }
0x6: {  	s23 =	simm.s32 $0x2120;
	s24 =	simm.s32 $0x110;
	s6 =	sand.u32 $0x1, s3  }
0x7: {  	s26 =	simm.s32 $0x0;
	s3 =	stileid.u32;
	s7 =	smul.u32 $0xA0000, s6  }
0x8: {  	[smem:$0x7FF] =	sst s4;
	s15 =	sadd.s32 $0x1C00, s5;
	s9 =	smul.u32 $0xA000, s3  }
0x9: {  	s14 =	sadd.s32 $0xBA00, s5;
	_ =	strace $0x8000004D;
	s11 =	smul.u32 $0x28000, s3  }
0xa: {  	s8 =	sshll.u32 s6, $0x4;
	s10 =	ssub.s32 $0x2, s6;
	s30 =	smul.u32 $0x27100, s6  }
0xb: {  	s31 =	smul.u32 $0x2710, s3;
	s8 =	sor.u32 s3, s8;
	s12 =	sshrl.u32 s10, $0x1  }
0xc: {  	s7 =	sadd.s32 s9, s7;
	s8 =	smul.u32 $0x2710, s8;
	s10 =	ssub.s32 s10, s12  }
0xd: {  	s28 =	sshrl.u32 s11, $0x2;
	s25 =	sadd.s32 s9, s2;
	s12 =	sadd.s32 s31, s30  }
0xe: {  	s7 =	sshrl.u32 s7, $0x3;
	s9 =	smax.u32 s10, $0x1;
	s16 =	sshrl.u32 s12, $0x3  }
0xf: {  	s25 =	sshrl.u32 s25, $0x3;
	s13 =	sadd.s32 s7, s5;
	s29 =	sshrl.u32 s8, $0x3  }
0x10: {  	s5 =	sadd.s32 s28, s2;
	s7 =	sadd.s32 $0x4E0, s29;
	s8 =	sadd.s32 $0x15800, s13  }
0x11: {  	s10 =	sadd.s32 $0x2000, s5;
	s11 =	sadd.s32 $0x4000, s5;
	s12 =	sadd.s32 $0x6000, s5  }
0x12: {  	s13 =	sadd.s32 $0x8000, s5;
	s6 =	sadd.s32 s15, s7;
	s7 =	sadd.s32 s14, s7  }
0x13: {  	v0 =	vimm.f32 $0.0e+00;
	s14 =	sadd.s32 s16, s14;
	s15 =	sadd.s32 s16, s15;
	s16 =	simm.s32 $0x2520  }
.LBB2_1:
0x14: {  	s28 =	sand.u32 $0x7F00, s4  }
0x15: {  	s29 =	sand.u32 $0x30, s4;
	s30 =	sshrl.u32 s28, $0x2  }
0x16: {  	s28 =	simm.s32 $0x40;
	s30 =	sor.u32 s29, s30;
	s29 =	simm.s32 $0x0  }
.LBB2_2:
0x17: {  	p0 =	sne.s32 s28, $0x7FC0  }
0x18: {  	[tilespmem:s30+$0x2520] =	vst v0;
	s29 =	sadd.s32 $0x10, s29;
	s30 =	smov.u32 s28;
	s28 =	sadd.s32 $0x40, s28  }
.Ltmp0:
0x19: {  	(pc) =	sbr.rel @p0 .LBB2_2-.Ltmp0, $4  }
0x1a: {  	_ = 	snop  }
0x1b: {  	s30 =	sand.u32 $0x7F00, s30  }
0x1c: {  	s31 =	sand.u32 $0x30, s29;
	s30 =	sshrl.u32 s30, $0x2  }
0x1d: {  	s30 =	sor.u32 s31, s30  }
0x1e: {  	[tilespmem:s30+$0x2520] =	vst v0  }
0x1f: {  	[spmem:s5] =	stream.linear.scatter [tilespmem:s16], [sflag:$0x2], $0x2000, $0x38;
	[tilespmem:$0xE520] =	vst v63  }
0x20: {  	_ =	swait.ge [sflag:s17], $0x2000  }
0x21: {  	[sflag:s17] =	ssyncset.done $0x0  }
0x22: {  	[sflag:s17] =	ssyncadd.s32 $0xFFFFE000  }
0x23: {  	[spmem:s10] =	stream.linear.scatter [tilespmem:s16], [sflag:$0x2], $0x2000, $0x38;
	[tilespmem:$0xE520] =	vst v63  }
0x24: {  	_ =	swait.ge [sflag:s17], $0x2000  }
0x25: {  	[sflag:s17] =	ssyncset.done $0x0  }
0x26: {  	[sflag:s17] =	ssyncadd.s32 $0xFFFFE000  }
0x27: {  	[spmem:s11] =	stream.linear.scatter [tilespmem:s16], [sflag:$0x2], $0x2000, $0x38;
	[tilespmem:$0xE520] =	vst v63  }
0x28: {  	_ =	swait.ge [sflag:s17], $0x2000  }
0x29: {  	[sflag:s17] =	ssyncset.done $0x0  }
0x2a: {  	[sflag:s17] =	ssyncadd.s32 $0xFFFFE000  }
0x2b: {  	[spmem:s12] =	stream.linear.scatter [tilespmem:s16], [sflag:$0x2], $0x2000, $0x38;
	[tilespmem:$0xE520] =	vst v63  }
0x2c: {  	_ =	swait.ge [sflag:s17], $0x2000  }
0x2d: {  	[sflag:s17] =	ssyncset.done $0x0  }
0x2e: {  	[sflag:s17] =	ssyncadd.s32 $0xFFFFE000  }
0x2f: {  	[spmem:s13] =	stream.linear.scatter [tilespmem:s16], [sflag:$0x2], $0x2000, $0x38;
	[tilespmem:$0xE520] =	vst v63  }
0x30: {  	_ =	swait.ge [sflag:s17], $0x2000  }
0x31: {  	[sflag:s17] =	ssyncset.done $0x0  }
0x32: {  	[sflag:s17] =	ssyncadd.s32 $0xFFFFE000  }
0x33: {  	s28 =	sadd.s32 $0x0, s15;
	[bflag:$0x0] =	sbarrier.arrive $0xFFFF  }
0x34: {  	[tilespmem:s4], [sflag:$0x2] =	stream.linear.gather [hbm4b:s28+s4], $0x80, $0x38;
	[tilespmem:$0xE520] =	vst v63  }
0x35: {  	_ =	swait.ge [sflag:s17], $0x80  }
0x36: {  	[sflag:s17] =	ssyncset.done $0x0  }
0x37: {  	[sflag:s17] =	ssyncadd.s32 $0xFFFFFF80  }
0x38: {  	[tilespmem:s19], [sflag:$0x1] =	stream.indirect.gather [hbm4b:s1+s18], $0x40, s4, s18, $0xb8;
	[tilespmem:$0xE520] =	vst v63  }
0x39: {  	_ =	swait.ge [sflag:s20], $0x2000  }
0x3a: {  	[sflag:s20] =	ssyncset.done $0x0  }
0x3b: {  	s28 =	sadd.s32 $0x0, s14;
	[sflag:s20] =	ssyncadd.s32 $0xFFFFE000  }
0x3c: {  	[tilespmem:s18], [sflag:$0x2] =	stream.linear.gather [hbm4b:s28+s4], $0x80, $0x38;
	[tilespmem:$0xE520] =	vst v63  }
0x3d: {  	_ =	swait.ge [sflag:s17], $0x80  }
0x3e: {  	[sflag:s17] =	ssyncset.done $0x0  }
0x3f: {  	[sflag:s17] =	ssyncadd.s32 $0xFFFFFF80  }
0x40: {  	[spmem:s2] =	stream.indirect.scatter.add.f32 [tilespmem:s19], [sflag:$0x2], $0x40, s18, s18, $0xb8;
	[tilespmem:$0xE520] =	vst v63  }
0x41: {  	_ =	swait.ge [sflag:s17], $0x2000  }
0x42: {  	s29 =	simm.s32 $0x20;
	s28 =	simm.s32 $0x10;
	[sflag:s17] =	ssyncset.done $0x0  }
.LBB2_4:
0x43: {  	s30 =	sadd.s32 s28, s15  }
0x44: {  	[sflag:s17] =	ssyncadd.s32 $0xFFFFE000;
	s31 =	smov.u32 s29;
	s0 =	sadd.s32 $0x10, s29  }
0x45: {  	[tilespmem:s4], [sflag:$0x2] =	stream.linear.gather [hbm4b:s30+s4], $0x80, $0x38;
	[tilespmem:$0xE520] =	vst v63  }
0x46: {  	p0 =	sne.s32 s29, $0x4D0;
	_ =	swait.ge [sflag:s17], $0x80  }
0x47: {  	[sflag:s17] =	ssyncset.done $0x0  }
0x48: {  	[sflag:s17] =	ssyncadd.s32 $0xFFFFFF80  }
0x49: {  	[tilespmem:s19], [sflag:$0x1] =	stream.indirect.gather [hbm4b:s1+s18], $0x40, s4, s18, $0xb8;
	[tilespmem:$0xE520] =	vst v63  }
0x4a: {  	_ =	swait.ge [sflag:s20], $0x2000  }
0x4b: {  	[sflag:s20] =	ssyncset.done $0x0  }
0x4c: {  	s29 =	sadd.s32 s28, s14;
	s28 =	smov.u32 s31;
	[sflag:s20] =	ssyncadd.s32 $0xFFFFE000  }
0x4d: {  	[tilespmem:s18], [sflag:$0x2] =	stream.linear.gather [hbm4b:s29+s4], $0x80, $0x38;
	[tilespmem:$0xE520] =	vst v63  }
0x4e: {  	_ =	swait.ge [sflag:s17], $0x80  }
.Ltmp1:
0x4f: {  	[sflag:s17] =	ssyncset.done $0x0;
	(pc) =	sbr.rel @p0 .LBB2_4-.Ltmp1, $4  }
0x50: {  	[sflag:s17] =	ssyncadd.s32 $0xFFFFFF80  }
0x51: {  	[spmem:s2] =	stream.indirect.scatter.add.f32 [tilespmem:s19], [sflag:$0x2], $0x40, s18, s18, $0xb8;
	[tilespmem:$0xE520] =	vst v63  }
0x52: {  	_ =	swait.ge [sflag:s17], $0x2000  }
0x53: {  	s29 =	smov.u32 s0;
	[sflag:s17] =	ssyncset.done $0x0  }
0x54: {  	s0 =	sadd.s32 s28, s15;
	[sflag:s17] =	ssyncadd.s32 $0xFFFFE000  }
0x55: {  	[tilespmem:s4], [sflag:$0x2] =	stream.linear.gather [hbm4b:s0+s4], $0x80, $0x38;
	[tilespmem:$0xE520] =	vst v63  }
0x56: {  	_ =	swait.ge [sflag:s17], $0x80  }
0x57: {  	[sflag:s17] =	ssyncset.done $0x0  }
0x58: {  	[sflag:s17] =	ssyncadd.s32 $0xFFFFFF80  }
0x59: {  	[tilespmem:s19], [sflag:$0x1] =	stream.indirect.gather [hbm4b:s1+s18], $0x40, s4, s18, $0xb8;
	[tilespmem:$0xE520] =	vst v63  }
0x5a: {  	_ =	swait.ge [sflag:s20], $0x2000  }
0x5b: {  	[sflag:s20] =	ssyncset.done $0x0  }
0x5c: {  	s30 =	sadd.s32 s28, s14;
	[sflag:s20] =	ssyncadd.s32 $0xFFFFE000  }
0x5d: {  	[tilespmem:s18], [sflag:$0x2] =	stream.linear.gather [hbm4b:s30+s4], $0x80, $0x38;
	[tilespmem:$0xE520] =	vst v63  }
0x5e: {  	_ =	swait.ge [sflag:s17], $0x80  }
0x5f: {  	[sflag:s17] =	ssyncset.done $0x0  }
0x60: {  	[sflag:s17] =	ssyncadd.s32 $0xFFFFFF80  }
0x61: {  	[spmem:s2] =	stream.indirect.scatter.add.f32 [tilespmem:s19], [sflag:$0x2], $0x40, s18, s18, $0xb8;
	[tilespmem:$0xE520] =	vst v63  }
0x62: {  	_ =	swait.ge [sflag:s17], $0x2000  }
0x63: {  	[sflag:s17] =	ssyncset.done $0x0  }
0x64: {  	[sflag:s17] =	ssyncadd.s32 $0xFFFFE000  }
0x65: {  	[tilespmem:s21], [sflag:$0x2] =	stream.linear.gather [hbm4b:s6+s4], $0x10, $0x38;
	[tilespmem:$0xE520] =	vst v63  }
0x66: {  	_ =	swait.ge [sflag:s17], $0x10  }
0x67: {  	[sflag:s17] =	ssyncset.done $0x0  }
0x68: {  	[sflag:s17] =	ssyncadd.s32 $0xFFFFFFF0  }
0x69: {  	[tilespmem:s23], [sflag:$0x1] =	stream.indirect.gather [hbm4b:s1+s22], $0x40, s21, s22, $0xb8;
	[tilespmem:$0xE520] =	vst v63  }
0x6a: {  	_ =	swait.ge [sflag:s20], $0x400  }
0x6b: {  	[sflag:s20] =	ssyncset.done $0x0  }
0x6c: {  	[sflag:s20] =	ssyncadd.s32 $0xFFFFFC00  }
0x6d: {  	[tilespmem:s24], [sflag:$0x2] =	stream.linear.gather [hbm4b:s7+s4], $0x10, $0x38;
	[tilespmem:$0xE520] =	vst v63  }
0x6e: {  	_ =	swait.ge [sflag:s17], $0x10  }
0x6f: {  	[sflag:s17] =	ssyncset.done $0x0  }
0x70: {  	[sflag:s17] =	ssyncadd.s32 $0xFFFFFFF0  }
0x71: {  	[spmem:s2] =	stream.indirect.scatter.add.f32 [tilespmem:s23], [sflag:$0x2], $0x40, s24, s22, $0xb8;
	[tilespmem:$0xE520] =	vst v63  }
0x72: {  	_ =	swait.ge [sflag:s17], $0x400  }
0x73: {  	s26 =	sadd.s32 $0x1, s26;
	[sflag:s17] =	ssyncset.done $0x0  }
0x74: {  	s31 =	sshll.u32 s3, $0x6;
	p0 =	sne.s32 s26, s9;
	[sflag:s17] =	ssyncadd.s32 $0xFFFFFC00  }
.Ltmp2:
0x75: {  	s0 =	sor.u32 $0x1C02, s31;
	[bflag:$0x0] =	sbarrier.arrive $0xFFFF;
	(pc) =	sbr.rel @p0 .LBB2_1-.Ltmp2, $4  }
0x76: {  	[hbm:s8], [sflag:s0] =	dma.local [spmem:s25], $0x1400  }
0x77: {  	_ =	swait.ge [sflag:s17], $0x1400  }
0x78: {  	[sflag:s17] =	ssyncset.done $0x0  }
0x79: {  	[sflag:s17] =	ssyncadd.s32 $0xFFFFEC00  }
0x7a: {  	_ =	sfence.sel $0x180000  }
0x7b: {  	[bflag:$0x0] =	sbarrier.arrive $0xFFFF  }
0x7c: {  	_ =	strace $0x9000004D  }
0x7d: {  	[bflag:$0x2] =	sbarrier.arrive $0xFFFF  }
0x7e: {  	p0 =	sne.s32 s3, $0x0;
	s0 =	rddreg [dreg:$0x3]  }
0x7f: {  	s0 =	sadd.s32 @!p0 $0x100000, s0  }
0x80: {  	[sflag:s0] =	ssyncadd.tile.s32 @!p0 $0x1;
	_ =	shalt  }
.Lfunc_end2:
_tile_overlayer_lowered:
.L_overlay_start_2:
0x81: {  	(tag) =	ssettag $0x2  }
0x82: {  	s0 =	rddreg [dreg:$0x0];
	s2 =	stileid.u32  }
0x83: {  	s1 =	rddreg [dreg:$0x1];
	p0 =	sne.s32 s2, $0x0  }
0x84: {  	s3 =	rddreg [dreg:$0x2];
	[bflag:$0x3] =	sbarrier.arrive $0xFFFF;
	s2 =	simm.s32 @!p0 $0x1C02  }
0x85: {  	[timem:s3], [sflag:s2] =	dma.local @!p0 [hbm:s0], s1  }
0x86: {  	s0 =	simm.s32 @!p0 $0x2  }
0x87: {  	_ =	swait.ge @!p0 [sflag:s0], s1  }
0x88: {  	s1 =	ssub.s32 @!p0 $0x0, s1;
	[sflag:s0] =	ssyncset.done @!p0 $0x0  }
0x89: {  	[sflag:s0] =	ssyncadd.s32 @!p0 s1  }
0x8a: {  	[bflag:$0x3] =	sbarrier.arrive $0xFFFF  }
0x8b: {  	_ =	shalt  }

// kernel: kernel.8.cloned.1.call-start
scs
__scs_entry_jumppad:
0x0: {  	(pc) =	sbr.rel $0x88, $3  }
0x1: {  	(tag) =	ssettag $0x0;
	lr =	simm.s32 $0x1  }
0x2: {  	[smem:$0x3F9B] =	sst lr;
	_ =	strace $0xD0000000  }
0x3: {  	_ = 	snop  }
0x4: {  	_ = 	snop  }
0x5: {  	_ = 	snop  }
0x6: {  	_ = 	snop  }
0x7: {  	_ = 	snop  }
__scs_overlays_trampoline_lowered:
0x8: {  	[smem:$0x3FAA] =	sst s0  }
0x9: {  	[smem:$0x3FAB] =	sst s1  }
0xa: {  	[smem:$0x3FAC] =	sst s2  }
0xb: {  	[smem:$0x3FAD] =	sst s3  }
0xc: {  	[smem:$0x3FAE] =	sst s4  }
0xd: {  	[smem:$0x3FAF] =	sst s5  }
0xe: {  	[smem:$0x3FB0] =	sst s6  }
0xf: {  	[smem:$0x3FB1] =	sst s7  }
0x10: {  	[smem:$0x3FB2] =	sst s8  }
0x11: {  	[smem:$0x3FB3] =	sst s9;
	s0 =	simm.s32 @!p0 $0x0  }
0x12: {  	s1 =	sld [smem:$0x3F99];
	s0 =	simm.s32 @p0 $0x1  }
0x13: {  	[smem:$0x3FB4] =	sst s0;
	s0 =	simm.s32 @!p1 $0x0  }
0x14: {  	s2 =	sld [smem:$0x3F98];
	s0 =	simm.s32 @p1 $0x1  }
0x15: {  	[smem:$0x3FB5] =	sst s0;
	s0 =	simm.s32 @!p2 $0x0  }
0x16: {  	s3 =	sld [smem:$0x3FDB];
	s0 =	simm.s32 @p2 $0x1  }
0x17: {  	s4 =	simm.s32 $0x1BF5;
	[smem:$0x3FB7] =	sst s0  }
0x18: {  	s0 =	sld [smem:$0x3F9A];
	_ =	swait.ge [sflag:s4], $0x0  }
0x19: {  	s7 =	sld [smem:$0x3F9B]  }
0x1a: {  	s8 =	sadd.s32 $0xFFFFE003, lr  }
0x1b: {  	s9 =	sadd.s32 $0xFFFFFEF7, lr;
	s5 =	simm.s32 $0xFFFFFFFF;
	p2 =	slt.u32 s8, $0xFFFFF086  }
0x1c: {  	p1 =	slt.u32 s9, $0xF7A;
	s5 =	simm.s32 @!p2 $0x0  }
0x1d: {  	s5 =	simm.s32 @p1 $0x1;
	p0 =	seq.s32 s7, s2  }
0x1e: {  	s7 =	smul.u32 @!p0 $0xF7A, s2;
	p2 =	seq.s32 @!p0 s5, $0x0  }
0x1f: {  	s9 =	smul.u32 $0xF7A, s1;
	s8 =	simm.s32 @!p0 $0x1BF5;
	p2 =	por !p2, p0  }
0x20: {  	[sflag:s8] =	ssyncset.s32 @!p0 $0xFFFFF086;
	s6 =	sadd.s32 @!p0 s3, s7;
	s7 =	simm.s32 @!p0 $0x108  }
0x21: {  	s3 =	sadd.s32 s3, s9;
	s6 =	sadd.s32 @!p0 $0x88, s6;
	s7 =	simm.s32 @p2 $0x1082  }
0x22: {  	[simem:s7], [sflag:s8] =	dma.local @!p0 [hbm:s6], $0xF7A  }
0x23: {  	s9 =	sor.u32 $0xD0000000, s2;
	s6 =	simm.s32 $0x108;
	_ =	swait.ge @!p0 [sflag:s8], $0x0  }
0x24: {  	s3 =	sadd.s32 $0x88, s3;
	s6 =	simm.s32 @!p1 $0x1082;
	[sflag:s4] =	ssyncset.s32 $0xFFFFF086  }
0x25: {  	[simem:s6], [sflag:s4] =	dma.local [hbm:s3], $0xF7A  }
0x26: {  	[smem:$0x3F9B] =	sst s1;
	(tag) =	ssettag s2;
	_ =	strace s9  }
0x27: {  	s1 =	sld [smem:$0x3FAB]  }
0x28: {  	s2 =	sld [smem:$0x3FAC]  }
0x29: {  	s4 =	sld [smem:$0x3FAE]  }
0x2a: {  	p0 =	seq.s32 s5, $0x0;
	s5 =	sld [smem:$0x3FAF]  }
0x2b: {  	s6 =	sld [smem:$0x3FB0]  }
0x2c: {  	s7 =	sld [smem:$0x3FB1]  }
0x2d: {  	s3 =	simm.s32 $0x108;
	s8 =	sld [smem:$0x3FB2]  }
0x2e: {  	s3 =	simm.s32 @!p0 $0x1082;
	s9 =	sld [smem:$0x3FB3]  }
0x2f: {  	lr =	sadd.s32 s0, s3;
	s0 =	sld [smem:$0x3FAA]  }
0x30: {  	s3 =	sld [smem:$0x3FAD]  }
0x31: {  	[smem:$0x3FB6] =	sst s10  }
0x32: {  	s10 =	sld [smem:$0x3FB4];
	_ =	sdelay $0x3  }
0x33: {  	p0 =	seq.s32 s10, $0x1;
	s10 =	sld [smem:$0x3FB6];
	_ =	sdelay $0x3  }
0x34: {  	[smem:$0x3FB6] =	sst s10  }
0x35: {  	s10 =	sld [smem:$0x3FB5];
	_ =	sdelay $0x3  }
0x36: {  	p1 =	seq.s32 s10, $0x1;
	s10 =	sld [smem:$0x3FB6];
	_ =	sdelay $0x3  }
0x37: {  	[smem:$0x3FB6] =	sst s10  }
0x38: {  	s10 =	sld [smem:$0x3FB7]  }
0x39: {  	_ = 	snop;
	(pc) =	sbr.ind lr, $3  }
0x3a: {  	_ = 	snop  }
0x3b: {  	_ = 	snop  }
0x3c: {  	p2 =	seq.s32 s10, $0x1;
	s10 =	sld [smem:$0x3FB6]  }
0x3d: {  	_ =	shalt  }
0x3e: {  	_ =	shalt  }
0x3f: {  	_ =	shalt  }
0x40: {  	_ =	shalt  }
0x41: {  	_ =	shalt  }
0x42: {  	_ =	shalt  }
0x43: {  	_ =	shalt  }
0x44: {  	_ =	shalt  }
0x45: {  	_ =	shalt  }
0x46: {  	_ =	shalt  }
0x47: {  	_ =	shalt  }
0x48: {  	_ =	shalt  }
0x49: {  	_ =	shalt  }
0x4a: {  	_ =	shalt  }
0x4b: {  	_ =	shalt  }
0x4c: {  	_ =	shalt  }
0x4d: {  	_ =	shalt  }
0x4e: {  	_ =	shalt  }
0x4f: {  	_ =	shalt  }
0x50: {  	_ =	shalt  }
0x51: {  	_ =	shalt  }
0x52: {  	_ =	shalt  }
0x53: {  	_ =	shalt  }
0x54: {  	_ =	shalt  }
0x55: {  	_ =	shalt  }
0x56: {  	_ =	shalt  }
0x57: {  	_ =	shalt  }
0x58: {  	_ =	shalt  }
0x59: {  	_ =	shalt  }
0x5a: {  	_ =	shalt  }
0x5b: {  	_ =	shalt  }
0x5c: {  	_ =	shalt  }
0x5d: {  	_ =	shalt  }
0x5e: {  	_ =	shalt  }
0x5f: {  	_ =	shalt  }
0x60: {  	_ =	shalt  }
0x61: {  	_ =	shalt  }
0x62: {  	_ =	shalt  }
0x63: {  	_ =	shalt  }
0x64: {  	_ =	shalt  }
0x65: {  	_ =	shalt  }
0x66: {  	_ =	shalt  }
0x67: {  	_ =	shalt  }
0x68: {  	_ =	shalt  }
0x69: {  	_ =	shalt  }
0x6a: {  	_ =	shalt  }
0x6b: {  	_ =	shalt  }
0x6c: {  	_ =	shalt  }
0x6d: {  	_ =	shalt  }
0x6e: {  	_ =	shalt  }
0x6f: {  	_ =	shalt  }
0x70: {  	_ =	shalt  }
0x71: {  	_ =	shalt  }
0x72: {  	_ =	shalt  }
0x73: {  	_ =	shalt  }
0x74: {  	_ =	shalt  }
0x75: {  	_ =	shalt  }
0x76: {  	_ =	shalt  }
0x77: {  	_ =	shalt  }
0x78: {  	_ =	shalt  }
0x79: {  	_ =	shalt  }
0x7a: {  	_ =	shalt  }
0x7b: {  	_ =	shalt  }
0x7c: {  	_ =	shalt  }
0x7d: {  	_ =	shalt  }
0x7e: {  	_ =	shalt  }
0x7f: {  	_ =	shalt  }
0x80: {  	_ =	shalt  }
0x81: {  	_ =	shalt  }
0x82: {  	_ =	shalt  }
0x83: {  	_ =	shalt  }
0x84: {  	_ =	shalt  }
0x85: {  	_ =	shalt  }
0x86: {  	_ =	shalt  }
0x87: {  	_ =	shalt  }
.Lfunc_end0:
.L_simem_size_0:
called_computation_lowered:
.L_overlay_start_0:
0x88: {  	s2 =	sld [smem:$0x3FD9]  }
0x89: {  	s3 =	sld [smem:$0x3FFE];
	_ =	sdelay $0x1  }
0x8a: {  	s1 =	srdreg.scid  }
0x8b: {  	s0 =	sand.u32 $0x1, s1  }
0x8c: {  	s17 =	sshll.u32 s0, $0xA;
	s2 =	sadd.s32 s3, s2  }
0x8d: {  	s2 =	sadd.s32 s2, s17  }
0x8e: {  	[smem:$0x3FC2] =	sst s2  }
0x8f: {  	_ = 	snop  }
0x90: {  	s2 =	sld [smem:$0x3FD0];
	(tm) =	ssettm $0x1  }
0x91: {  	s18 =	sld [smem:$0x3FFB];
	_ =	sdelay $0x3  }
0x92: {  	_ =	strace s18  }
0x93: {  	s3 =	sld [smem:$0x3FFC];
	_ =	sdelay $0x3  }
0x94: {  	_ =	strace s3  }
0x95: {  	s3 =	sld [smem:$0x3FFD];
	_ =	sdelay $0x3  }
0x96: {  	_ =	strace s3  }
0x97: {  	_ =	strace $0x8FFFFFFF  }
0x98: {  	s19 =	sld [smem:$0x3FDB];
	_ =	sdelay $0x1  }
0x99: {  	s4 =	simm.s32 $_scs_section_size  }
0x9a: {  	s5 =	simm.s32 $_size__tile_overlayer_lowered;
	s6 =	simm.s32 $_tile_overlayer_lowered  }
0x9b: {  	s22 =	simm.s32 $0x1BFF;
	s21 =	sshll.u32 s6, $0x1;
	s3 =	sadd.s32 s4, s19  }
0x9c: {  	s7 =	simm.s32 $0x0;
	s20 =	sshll.u32 s5, $0x1;
	s5 =	sadd.s32 s21, s3  }
0x9d: {  	[timem:s7], [sflag:s22] =	dma.local [hbm:s5], s20  }
0x9e: {  	_ =	swait.ge [sflag:s22], s20  }
0x9f: {  	s4 =	ssub.s32 $0x0, s20;
	[sflag:s22] =	ssyncset.done $0x0  }
0xa0: {  	[sflag:s22] =	ssyncadd.s32 s4;
	_ =	sdelay $0x1  }
0xa1: {  	s23 =	simm.s32 $0x1B8B  }
0xa2: {  	_ =	swait.ge [sflag:s23], $0x1  }
0xa3: {  	[sflag:s23] =	ssyncset.done $0x0  }
0xa4: {  	s25 =	simm.s32 $0x1B8E;
	s24 =	sld [smem:$0x3FFE];
	[sflag:s23] =	ssyncadd.s32 $0xFFFFFFFF  }
0xa5: {  	s26 =	simm.s32 $execute0_lowered;
	[smem:$0x3FD2] =	sst s25  }
0xa6: {  	s5 =	sshll.u32 s26, $0x1;
	_ =	strace $0x80000046;
	[dreg:$0x1] =	wrdreg $0xFFFFFFFF  }
0xa7: {  	s28 =	simm.s32 $_size_execute0_lowered;
	s3 =	sadd.s32 s3, s5;
	[dreg:$0x0] =	wrdreg $0x0  }
0xa8: {  	s5 =	sshll.u32 s28, $0x1;
	[dreg:$0x2] =	wrdreg s3  }
0xa9: {  	[dreg:$0x3] =	wrdreg s5  }
0xaa: {  	[dreg:$0x4] =	wrdreg $0xC0  }
0xab: {  	_ =	task [dreg:s7], $0x5FFFF  }
0xac: {  	[dreg:$0x1] =	wrdreg $0xFFFFFFFF  }
0xad: {  	[dreg:$0x0] =	wrdreg $0x60  }
0xae: {  	[dreg:$0x2] =	wrdreg s24  }
0xaf: {  	[dreg:$0x3] =	wrdreg s2  }
0xb0: {  	[dreg:$0x4] =	wrdreg $0x30900  }
0xb1: {  	[dreg:$0x5] =	wrdreg $0x9  }
0xb2: {  	_ =	task.clear_ibuf [dreg:s7], $0x6FFFF;
	_ =	strace $0x90000046  }
0xb3: {  	s29 =	simm.s32 $0x9;
	_ =	strace $0x80000048  }
0xb4: {  	_ =	swait.ge [sflag:s29], $0x1  }
0xb5: {  	[sflag:s29] =	ssyncadd.s32 $0xFFFFFFFF  }
0xb6: {  	_ =	strace $0x90000048  }
0xb7: {  	_ =	sfence  }
0xb8: {  	s30 =	sld [smem:$0x0];
	_ =	sdelay $0x2  }
0xb9: {  	s31 =	sshll.u32 s1, $0xD;
	s1 =	sshrl.u32 s1, $0x2  }
0xba: {  	s3 =	sand.u32 $0x4000, s31;
	s1 =	sadd.s32 s1, s30  }
0xbb: {  	s0 =	sor.u32 s3, s0;
	s1 =	sshll.u32 s1, $0x11  }
0xbc: {  	s0 =	sor.u32 s1, s0  }
0xbd: {  	s0 =	sadd.s32 $0x8F2B, s0  }
0xbe: {  	[sflag:s0] =	ssyncadd.remote.s32 $0x1  }
0xbf: {  	_ =	sfence.sel $0xFFFF  }
0xc0: {  	[dreg:$0x0] =	wrdreg $0xFFFFFFFF;
	(pc) =	sbr.abs _section_cstart, $3  }
0xc1: {  	[dreg:$0x1] =	wrdreg $0xFFFFFFFF  }
0xc2: {  	_ =	task.clear_ibuf [dreg:s7], $0x2FFFF;
	_ =	strace $0x9FFFFFFF  }
0xc3: {  	(tm) =	ssettm $0x7FFFFFFF  }
tec
execute0_lowered:
.L_overlay_start_1:
0x0: {  	(tag) =	ssettag $0x1  }
0x1: {  	s0 =	srdreg.scid;
	s4 =	rddreg [dreg:$0x0]  }
0x2: {  	s6 =	rddreg [dreg:$0x1];
	s5 =	sand.u32 $0x1, s0;
	s0 =	stileid.u32  }
0x3: {  	s2 =	rddreg [dreg:$0x2];
	s3 =	simm.s32 $0x0;
	s8 =	smul.u32 $0x2800, s0  }
0x4: {  	s13 =	simm.s32 $0x10;
	s16 =	simm.s32 $0x0;
	s9 =	smul.u32 $0x28000, s5  }
0x5: {  	s1 =	sshll.u32 s5, $0x4;
	s10 =	ssub.s32 $0x2, s5;
	s5 =	smul.u32 $0x27100, s5  }
0x6: {  	[smem:$0x7FF] =	sst s3;
	s11 =	sadd.s32 $0xBA00, s4;
	s12 =	smul.u32 $0x2710, s0  }
0x7: {  	s14 =	sshll.u32 s0, $0x6;
	s7 =	sor.u32 s0, s1;
	s1 =	rddreg [dreg:$0x3]  }
0x8: {  	_ =	strace $0x80000047;
	s28 =	sshrl.u32 s10, $0x1;
	s14 =	sor.u32 $0x1C01, s14  }
0x9: {  	s7 =	smul.u32 $0x2710, s7;
	s10 =	ssub.s32 s10, s28;
	s4 =	sadd.s32 s8, s2  }
0xa: {  	s8 =	sadd.s32 s8, s9;
	s29 =	sadd.s32 s12, s5;
	s9 =	simm.s32 $0x890  }
0xb: {  	s12 =	simm.s32 $0x90;
	s30 =	sshrl.u32 s8, $0x3;
	s31 =	sshrl.u32 s29, $0x3  }
0xc: {  	s15 =	sshrl.u32 s4, $0x3;
	s7 =	sshrl.u32 s7, $0x3;
	s6 =	sadd.s32 s6, s30  }
0xd: {  	v0 =	vimm.f32 $0.0e+00;
	vm0 =	vcmask $0x300;
	s8 =	sadd.s32 s31, s11;
	s7 =	sadd.s32 s11, s7;
	s11 =	simm.s32 $0x80  }
0xe: {  	v1 =	vsel vm0, $0x3F800000, v0;
	s5 =	sadd.s32 $0x4E0, s7;
	s7 =	smax.u32 s10, $0x1;
	s10 =	simm.s32 $0x1  }
.LBB2_1:
0xf: {  	s17 =	simm.s32 $0x0  }
.LBB2_2:
0x10: {  	p0 =	sne.s32 s17, $0x1FC0  }
.Ltmp0:
0x11: {  	_ = 	snop;
	(pc) =	sbr.rel @p0 .LBB2_2-.Ltmp0, $3  }
0x12: {  	_ =	sdelay $0x1  }
0x13: {  	s18 =	sshra.s32 s17, $0x2  }
0x14: {  	s17 =	sadd.s32 $0x40, s17;
	[tilespmem:s18+$0x90] =	vst v1  }
0x15: {  	s17 =	simm.s32 $0x40;
	s18 =	simm.s32 $0x0  }
.LBB2_4:
0x16: {  	p0 =	sne.s32 s17, $0x9FC0;
	[tilespmem:s18+$0x890] =	vst v0;
	s18 =	smov.u32 s17;
	s17 =	sadd.s32 $0x40, s17  }
.Ltmp1:
0x17: {  	(pc) =	sbr.rel @p0 .LBB2_4-.Ltmp1, $2  }
0x18: {  	_ =	sdelay $0x2  }
0x19: {  	s18 =	sshra.s32 s18, $0x2  }
0x1a: {  	[tilespmem:s18+$0x890] =	vst v0  }
0x1b: {  	[spmem:s4] =	stream.linear.scatter [tilespmem:s9], [sflag:$0x1], $0x2800, $0x38;
	[tilespmem:$0x5890] =	vst v63  }
0x1c: {  	_ =	swait.ge [sflag:s10], $0x2800  }
0x1d: {  	[sflag:s10] =	ssyncset.done $0x0  }
0x1e: {  	[sflag:s10] =	ssyncadd.s32 $0xFFFFD800  }
0x1f: {  	s17 =	sadd.s32 $0x0, s8;
	[bflag:$0x0] =	sbarrier.arrive $0xFFFF  }
0x20: {  	[tilespmem:s3], [sflag:$0x1] =	stream.linear.gather [hbm4b:s17+s3], $0x80, $0x38;
	[tilespmem:$0x5890] =	vst v63  }
0x21: {  	_ =	swait.ge [sflag:s10], $0x80  }
0x22: {  	[sflag:s10] =	ssyncset.done $0x0  }
0x23: {  	[sflag:s10] =	ssyncadd.s32 $0xFFFFFF80  }
0x24: {  	[spmem:s2] =	stream.indirect.scatter.add.f32 [tilespmem:s12], [sflag:$0x1], $0x10, s3, s11, $0xb8;
	[tilespmem:$0x5890] =	vst v63  }
0x25: {  	_ =	swait.ge [sflag:s10], $0x800  }
0x26: {  	s18 =	simm.s32 $0x20;
	s17 =	simm.s32 $0x10;
	[sflag:s10] =	ssyncset.done $0x0  }
.LBB2_6:
0x27: {  	s19 =	sadd.s32 s17, s8  }
0x28: {  	[sflag:s10] =	ssyncadd.s32 $0xFFFFF800;
	s17 =	smov.u32 s18;
	s20 =	sadd.s32 $0x10, s18  }
0x29: {  	[tilespmem:s3], [sflag:$0x1] =	stream.linear.gather [hbm4b:s19+s3], $0x80, $0x38;
	[tilespmem:$0x5890] =	vst v63  }
0x2a: {  	p0 =	sne.s32 s18, $0x4D0;
	_ =	swait.ge [sflag:s10], $0x80  }
.Ltmp2:
0x2b: {  	[sflag:s10] =	ssyncset.done $0x0;
	(pc) =	sbr.rel @p0 .LBB2_6-.Ltmp2, $4  }
0x2c: {  	[sflag:s10] =	ssyncadd.s32 $0xFFFFFF80  }
0x2d: {  	[spmem:s2] =	stream.indirect.scatter.add.f32 [tilespmem:s12], [sflag:$0x1], $0x10, s3, s11, $0xb8;
	[tilespmem:$0x5890] =	vst v63  }
0x2e: {  	_ =	swait.ge [sflag:s10], $0x800  }
0x2f: {  	s18 =	smov.u32 s20;
	[sflag:s10] =	ssyncset.done $0x0  }
0x30: {  	s17 =	sadd.s32 s17, s8;
	[sflag:s10] =	ssyncadd.s32 $0xFFFFF800  }
0x31: {  	[tilespmem:s3], [sflag:$0x1] =	stream.linear.gather [hbm4b:s17+s3], $0x80, $0x38;
	[tilespmem:$0x5890] =	vst v63  }
0x32: {  	_ =	swait.ge [sflag:s10], $0x80  }
0x33: {  	[sflag:s10] =	ssyncset.done $0x0  }
0x34: {  	[sflag:s10] =	ssyncadd.s32 $0xFFFFFF80  }
0x35: {  	[spmem:s2] =	stream.indirect.scatter.add.f32 [tilespmem:s12], [sflag:$0x1], $0x10, s3, s11, $0xb8;
	[tilespmem:$0x5890] =	vst v63  }
0x36: {  	_ =	swait.ge [sflag:s10], $0x800  }
0x37: {  	[sflag:s10] =	ssyncset.done $0x0  }
0x38: {  	[sflag:s10] =	ssyncadd.s32 $0xFFFFF800  }
0x39: {  	[tilespmem:s11], [sflag:$0x1] =	stream.linear.gather [hbm4b:s5+s3], $0x10, $0x38;
	[tilespmem:$0x5890] =	vst v63  }
0x3a: {  	_ =	swait.ge [sflag:s10], $0x10  }
0x3b: {  	[sflag:s10] =	ssyncset.done $0x0  }
0x3c: {  	[sflag:s10] =	ssyncadd.s32 $0xFFFFFFF0  }
0x3d: {  	[spmem:s2] =	stream.indirect.scatter.add.f32 [tilespmem:s12], [sflag:$0x1], $0x10, s11, s13, $0xb8;
	[tilespmem:$0x5890] =	vst v63  }
0x3e: {  	_ =	swait.ge [sflag:s10], $0x100  }
0x3f: {  	s16 =	sadd.s32 $0x1, s16;
	[sflag:s10] =	ssyncset.done $0x0  }
0x40: {  	p0 =	sne.s32 s16, s7;
	[sflag:s10] =	ssyncadd.s32 $0xFFFFFF00  }
.Ltmp3:
0x41: {  	[bflag:$0x0] =	sbarrier.arrive $0xFFFF;
	(pc) =	sbr.rel @p0 .LBB2_1-.Ltmp3, $4  }
0x42: {  	[hbm:s6], [sflag:s14] =	dma.local [spmem:s15], $0x500  }
0x43: {  	_ =	swait.ge [sflag:s10], $0x500  }
0x44: {  	[sflag:s10] =	ssyncset.done $0x0  }
0x45: {  	[sflag:s10] =	ssyncadd.s32 $0xFFFFFB00  }
0x46: {  	_ =	sfence.sel $0x180000  }
0x47: {  	[bflag:$0x0] =	sbarrier.arrive $0xFFFF  }
0x48: {  	p0 =	sne.s32 s0, $0x0;
	_ =	strace $0x90000047  }
0x49: {  	s0 =	sadd.s32 @!p0 $0x100000, s1;
	[bflag:$0x2] =	sbarrier.arrive $0xFFFF  }
0x4a: {  	[sflag:s0] =	ssyncadd.tile.s32 @!p0 $0x1;
	_ =	shalt  }
.Lfunc_end2:
_tile_overlayer_lowered:
.L_overlay_start_2:
0x4b: {  	(tag) =	ssettag $0x2  }
0x4c: {  	s0 =	rddreg [dreg:$0x0];
	s2 =	stileid.u32  }
0x4d: {  	s1 =	rddreg [dreg:$0x1];
	p0 =	sne.s32 s2, $0x0  }
0x4e: {  	s3 =	rddreg [dreg:$0x2];
	[bflag:$0x3] =	sbarrier.arrive $0xFFFF;
	s2 =	simm.s32 @!p0 $0x1C01  }
0x4f: {  	[timem:s3], [sflag:s2] =	dma.local @!p0 [hbm:s0], s1  }
0x50: {  	s0 =	simm.s32 @!p0 $0x1  }
0x51: {  	_ =	swait.ge @!p0 [sflag:s0], s1  }
0x52: {  	s1 =	ssub.s32 @!p0 $0x0, s1;
	[sflag:s0] =	ssyncset.done @!p0 $0x0  }
0x53: {  	[sflag:s0] =	ssyncadd.s32 @!p0 s1  }
0x54: {  	[bflag:$0x3] =	sbarrier.arrive $0xFFFF  }
0x55: {  	_ =	shalt  }

</sc_bundles>
